<compile_context>
chip_gen: v7x
topology: tpu7x:2x2x1
jax: 0.10.2.dev20260603
libtpu: 0.0.44.dev20260713+nightly
codegen_flags: <defaults>
</compile_context>

<pallas_src>
import functools

import jax
import jax.numpy as jnp
from jax import lax
from jax.experimental import pallas as pl
from jax.experimental.pallas import tpu as pltpu
from jax.experimental.pallas import tpu_sc as plsc

B = 16384
E = 32
H1 = 256
H2 = 64

RGW = 2048
UV8 = 62 * RGW
MV8 = 7 * RGW


def _regroup_body(*refs):
    (t0, t1, t2, t3, t4, t5, t6, t7, out_ref) = refs
    eye = jnp.eye(E, dtype=jnp.float32)
    dn = (((0,), (0,)), ((), ()))
    parts = [lax.dot_general(t[...], eye, dn,
                             preferred_element_type=jnp.float32)
             for t in (t0, t1, t2, t3, t4, t5, t6, t7)]
    for p in range(4):
        lo = lax.bitcast_convert_type(parts[2 * p], jnp.int32)
        hi = lax.bitcast_convert_type(parts[2 * p + 1], jnp.int32)
        out_ref[:, p * E:(p + 1) * E] = (
            lax.shift_right_logical(lo, 16)
            | lax.bitwise_and(hi, jnp.int32(-65536)))


def _regroup_tc(tabT, v8, w):
    nblk = v8 // w
    last = (tabT.shape[1] - 1) // w
    specs = [
        pl.BlockSpec((E, w),
                     lambda i, o=o: (0, jnp.minimum(o * nblk + i, last)))
        for o in range(8)
    ]
    return pl.pallas_call(
        _regroup_body,
        grid=(nblk,),
        in_specs=specs,
        out_specs=pl.BlockSpec((w, 4 * E), lambda i: (i, 0)),
        out_shape=jax.ShapeDtypeStruct((v8, 4 * E), jnp.int32),
    )(*([tabT] * 8))


def _octant(v, v8):
    q = jnp.zeros_like(v)
    for o in range(1, 8):
        q += jnp.where(v >= o * v8, 1, 0)
    return q


def _gather_sc(ids, tab, v8):
    info = plsc.get_sparse_core_info()
    nc, ns = info.num_cores, info.num_subcores
    nw = nc * ns
    bpw = B // nw
    mesh = plsc.VectorSubcoreMesh(core_axis_name="c", subcore_axis_name="s")

    @functools.partial(
        pl.kernel,
        mesh=mesh,
        out_type=jax.ShapeDtypeStruct((B, 4 * E), jnp.int32),
        scratch_types=[
            pltpu.VMEM((bpw,), jnp.int32),
            pltpu.VMEM((bpw,), jnp.int32),
            pltpu.VMEM((bpw, 4 * E), jnp.int32),
            pltpu.SemaphoreType.DMA,
        ],
        compiler_params=pltpu.CompilerParams(use_tc_tiling_on_sc=True),
    )
    def gather_kernel(ids_hbm, tab_hbm, out_hbm, ids_v, idx_v, rows, sem):
        wid = lax.axis_index("s") * nc + lax.axis_index("c")
        base = wid * bpw
        pltpu.sync_copy(ids_hbm.at[pl.ds(base, bpw)], ids_v)

        def idx_body(j, _):
            sl = pl.ds(j * 16, 16)
            v = ids_v[sl]
            idx_v[sl] = v - _octant(v, v8) * v8
            return 0

        lax.fori_loop(0, bpw // 16, idx_body, 0)
        pltpu.async_copy(tab_hbm.at[idx_v], rows, sem).wait()
        pltpu.sync_copy(rows, out_hbm.at[pl.ds(base, bpw)])

    return gather_kernel(ids, tab)


def _select_bf16(x128, v, v8):
    o = _octant(v, v8)
    p = lax.shift_right_logical(o, 1)
    h = lax.bitwise_and(o, 1)
    word = jnp.zeros((x128.shape[0], E), jnp.int32)
    for pp in range(4):
        word += jnp.where(p == pp, x128[:, pp * E:(pp + 1) * E], 0)
    bits = jnp.where(h == 1, lax.shift_right_logical(word, 16), word)
    bits = lax.shift_left(bits, 16)
    return lax.bitcast_convert_type(bits, jnp.float32).astype(jnp.bfloat16)


def _mlp_body(u_ref, m_ref, uid_ref, mid_ref, w1u_ref, w1m_ref, b1_ref,
              w2_ref, b2_ref, w3_ref, b3_ref, out_ref):
    xu = _select_bf16(u_ref[...], uid_ref[...], UV8)
    xm = _select_bf16(m_ref[...], mid_ref[...], MV8)
    h = jnp.dot(xu, w1u_ref[...], preferred_element_type=jnp.float32)
    h += jnp.dot(xm, w1m_ref[...], preferred_element_type=jnp.float32)
    h = jnp.maximum(h + b1_ref[...], 0.0)
    h = jnp.dot(h, w2_ref[...], preferred_element_type=jnp.float32)
    h = jnp.maximum(h + b2_ref[...], 0.0)
    out_ref[...] = jnp.sum(h * w3_ref[...], axis=1, keepdims=True) \
        + b3_ref[...]


def _mlp_tc(u128, m128, uids2, mids2, W1, b1, W2, b2, W3, b3):
    blk = 1024
    w1u = W1[:E].astype(jnp.bfloat16)
    w1m = W1[E:].astype(jnp.bfloat16)
    b1r = b1.reshape(1, H1)
    b2r = b2.reshape(1, H2)
    w3r = W3.reshape(1, H2)
    b3r = b3.reshape(1, 1)
    return pl.pallas_call(
        _mlp_body,
        grid=(B // blk,),
        in_specs=[
            pl.BlockSpec((blk, 4 * E), lambda i: (i, 0)),
            pl.BlockSpec((blk, 4 * E), lambda i: (i, 0)),
            pl.BlockSpec((blk, 1), lambda i: (i, 0)),
            pl.BlockSpec((blk, 1), lambda i: (i, 0)),
            pl.BlockSpec((E, H1), lambda i: (0, 0)),
            pl.BlockSpec((E, H1), lambda i: (0, 0)),
            pl.BlockSpec((1, H1), lambda i: (0, 0)),
            pl.BlockSpec((H1, H2), lambda i: (0, 0)),
            pl.BlockSpec((1, H2), lambda i: (0, 0)),
            pl.BlockSpec((1, H2), lambda i: (0, 0)),
            pl.BlockSpec((1, 1), lambda i: (0, 0)),
        ],
        out_specs=pl.BlockSpec((blk, 1), lambda i: (i, 0)),
        out_shape=jax.ShapeDtypeStruct((B, 1), jnp.float32),
    )(u128, m128, uids2, mids2, w1u, w1m, b1r, W2, b2r, w3r, b3r)


def kernel(user_ids, movie_ids, user_table, movie_table, W1, b1, W2, b2, W3, b3):
    uids = user_ids.astype(jnp.int32)
    mids = movie_ids.astype(jnp.int32)
    mg = _regroup_tc(movie_table.T, MV8, RGW)
    m128 = _gather_sc(mids, mg, MV8)
    ug = _regroup_tc(user_table.T, UV8, 2 * RGW)
    u128 = _gather_sc(uids, ug, UV8)
    return _mlp_tc(u128, m128, uids.reshape(B, 1), mids.reshape(B, 1),
                   W1, b1, W2, b2, W3, b3)

# --- scband reference (transcript-rebuilt; emitter-appended) ---
"""Pipeline reference for scband-ranking-model-28054726377639 (READ-ONLY COPY).

The authoritative reference and input builder live on the scoring server;
editing this copy changes nothing except your own understanding.
"""

import jax, jax.numpy as jnp
import numpy as np

USER_VOCAB = 1000000
MOVIE_VOCAB = 100000
EMBED_DIM = 32
BATCH = 16384


def setup_inputs(seed: int = 0) -> dict:
    key = jax.random.key(seed)
    ks = jax.random.split(key, 10)
    user_ids = jax.random.randint(ks[0], (BATCH,), 0, USER_VOCAB, dtype=jnp.int64 if jax.config.jax_enable_x64 else jnp.int32)
    movie_ids = jax.random.randint(ks[1], (BATCH,), 0, MOVIE_VOCAB, dtype=jnp.int64 if jax.config.jax_enable_x64 else jnp.int32)
    # Embedding tables (StringLookup maps strings -> ints; here we model the int lookup directly.
    # Keras Embedding has input_dim = vocab + 1 due to OOV bucket.)
    user_table = jax.random.normal(ks[2], (USER_VOCAB + 1, EMBED_DIM), dtype=jnp.float32) * 0.05
    movie_table = jax.random.normal(ks[3], (MOVIE_VOCAB + 1, EMBED_DIM), dtype=jnp.float32) * 0.05
    # MLP: Dense(256, relu) -> Dense(64, relu) -> Dense(1)
    d_in = 2 * EMBED_DIM
    W1 = jax.random.normal(ks[4], (d_in, 256), dtype=jnp.float32) * (1.0 / np.sqrt(d_in))
    b1 = jnp.zeros((256,), dtype=jnp.float32)
    W2 = jax.random.normal(ks[5], (256, 64), dtype=jnp.float32) * (1.0 / np.sqrt(256))
    b2 = jnp.zeros((64,), dtype=jnp.float32)
    W3 = jax.random.normal(ks[6], (64, 1), dtype=jnp.float32) * (1.0 / np.sqrt(64))
    b3 = jnp.zeros((1,), dtype=jnp.float32)
    return {"user_ids": user_ids, "movie_ids": movie_ids,
            "user_table": user_table, "movie_table": movie_table,
            "W1": W1, "b1": b1, "W2": W2, "b2": b2, "W3": W3, "b3": b3}


def reference(user_ids, movie_ids, user_table, movie_table, W1, b1, W2, b2, W3, b3):
    user_emb = jnp.take(user_table, user_ids, axis=0)   # [B, E]
    movie_emb = jnp.take(movie_table, movie_ids, axis=0)  # [B, E]
    h = jnp.concatenate([user_emb, movie_emb], axis=-1)  # [B, 2E]
    h = jax.nn.relu(h @ W1 + b1)
    h = jax.nn.relu(h @ W2 + b2)
    out = h @ W3 + b3  # [B, 1]
    return out

if __name__ == "__main__":
    import jax
    _d = setup_inputs()
    print(jax.jit(kernel)(*tuple(_d.values())))

</pallas_src>

<mosaic_0001>
#map = affine_map<(d0, d1) -> (0)>
#map1 = affine_map<(d0, d1) -> (0, 0)>
module attributes {stable_mosaic.version = 14 : i64} {
  func.func @gather_kernel(%arg0: i32, %arg1: i32, %arg2: memref<16384xi32, #tpu.memory_space<hbm>>, %arg3: memref<126976x128xi32, #tpu.memory_space<hbm>>, %arg4: memref<16384x128xi32, #tpu.memory_space<hbm>>, %arg5: memref<512xi32, #tpu.memory_space<vmem>>, %arg6: memref<512xi32, #tpu.memory_space<vmem>>, %arg7: memref<512x128xi32, #tpu.memory_space<vmem>>, %arg8: memref<!tpu.dma_semaphore, #tpu.memory_space<semaphore_mem>>) attributes {dimension_semantics = [#tpu.dimension_semantics<core_parallel>, #tpu.dimension_semantics<subcore_parallel>], iteration_bounds = array<i64: 2, 16>, scalar_prefetch = 0 : i64, scratch_operands = 4 : i64, tpu.core_type = #tpu.core_type<sc_vector_subcore>, window_params = [{transform_indices = #map}, {transform_indices = #map1}, {transform_indices = #map1}]} {
    %mul3A = arith.constant 2 : i32
    %mul3A_0 = arith.muli %arg1, %mul3A : i32
    %add3A = arith.addi %mul3A_0, %arg0 : i32
    %mul3A_1 = arith.constant 512 : i32
    %mul3A_2 = arith.muli %add3A, %mul3A_1 : i32
    "tpu.region"() ({
      %run_scoped3A = tpu.sem_alloc : memref<!tpu.dma_semaphore, #tpu.memory_space<semaphore_mem>>
      %dma_start3A_13 = tpu.memref_slice %arg2[%mul3A_2] : memref<16384xi32, #tpu.memory_space<hbm>> -> memref<512xi32, #tpu.memory_space<hbm>>
      %dma_start3A_14 = tpu.memref_slice %arg2[%mul3A_2] : memref<16384xi32, #tpu.memory_space<hbm>> -> memref<512xi32, #tpu.memory_space<hbm>>
      tpu.enqueue_dma source(%dma_start3A_14 : memref<512xi32, #tpu.memory_space<hbm>>) target(%arg5 : memref<512xi32, #tpu.memory_space<vmem>>) target_semaphore(%run_scoped3A : memref<!tpu.dma_semaphore, #tpu.memory_space<semaphore_mem>>)
      %dma_wait3A_15 = tpu.memref_slice %arg2[%mul3A_2] : memref<16384xi32, #tpu.memory_space<hbm>> -> memref<512xi32, #tpu.memory_space<hbm>>
      %dma_wait3A_16 = tpu.memref_slice %arg2[%mul3A_2] : memref<16384xi32, #tpu.memory_space<hbm>> -> memref<512xi32, #tpu.memory_space<hbm>>
      tpu.wait_dma2 semaphore(%run_scoped3A : memref<!tpu.dma_semaphore, #tpu.memory_space<semaphore_mem>>) src(%dma_wait3A_16 : memref<512xi32, #tpu.memory_space<hbm>>) dst(%arg5 : memref<512xi32, #tpu.memory_space<vmem>>)
      tpu.yield
    }) : () -> ()
    %scan3A = arith.constant 0 : i32
    %scan3A_3 = arith.constant 0 : i32
    %scan3A_4 = arith.constant 32 : i32
    %scan3A_5 = arith.addi %scan3A_3, %scan3A_4 : i32
    %scan3A_6 = arith.constant 1 : i32
    %scan3A_7 = scf.for %scan3A_13 = %scan3A_3 to %scan3A_5 step %scan3A_6 iter_args(%scan3A_14 = %scan3A) -> (i32)  : i32 {
      %mul3A_15 = arith.constant 16 : i32
      %mul3A_16 = arith.muli %scan3A_13, %mul3A_15 : i32
      %get3A = arith.index_cast %mul3A_16 : i32 to index
      %get3A_17 = tpu.vector_load %arg5[%get3A] {strides = array<i32>} : memref<512xi32, #tpu.memory_space<vmem>>, vector<16xi32>,
      %get3A_18 = vector.shape_cast %get3A_17 : vector<16xi32> to vector<16xi32>
      %broadcast_in_dim3A = arith.constant 0 : i32
      %broadcast_in_dim3A_19 = vector.broadcast %broadcast_in_dim3A : i32 to vector<16xi32>
      %ge3A = arith.constant 126976 : i32
      %ge3A_20 = vector.broadcast %ge3A : i32 to vector<16xi32>
      %ge3A_21 = arith.cmpi sge, %get3A_18, %ge3A_20 : vector<16xi32>
      %jit3A = arith.constant 1 : i32
      %jit3A_22 = arith.constant 0 : i32
      %broadcast_in_dim3A_23 = vector.broadcast %jit3A : i32 to vector<16xi32>
      %broadcast_in_dim3A_24 = vector.broadcast %jit3A_22 : i32 to vector<16xi32>
      %select_n3A = arith.select %ge3A_21, %broadcast_in_dim3A_23, %broadcast_in_dim3A_24 : vector<16xi1>, vector<16xi32>
      %add3A_25 = arith.addi %broadcast_in_dim3A_19, %select_n3A : vector<16xi32>
      %ge3A_26 = arith.constant 253952 : i32
      %ge3A_27 = vector.broadcast %ge3A_26 : i32 to vector<16xi32>
      %ge3A_28 = arith.cmpi sge, %get3A_18, %ge3A_27 : vector<16xi32>
      %jit3A_29 = arith.constant 1 : i32
      %jit3A_30 = arith.constant 0 : i32
      %broadcast_in_dim3A_31 = vector.broadcast %jit3A_29 : i32 to vector<16xi32>
      %broadcast_in_dim3A_32 = vector.broadcast %jit3A_30 : i32 to vector<16xi32>
      %select_n3A_33 = arith.select %ge3A_28, %broadcast_in_dim3A_31, %broadcast_in_dim3A_32 : vector<16xi1>, vector<16xi32>
      %add3A_34 = arith.addi %add3A_25, %select_n3A_33 : vector<16xi32>
      %ge3A_35 = arith.constant 380928 : i32
      %ge3A_36 = vector.broadcast %ge3A_35 : i32 to vector<16xi32>
      %ge3A_37 = arith.cmpi sge, %get3A_18, %ge3A_36 : vector<16xi32>
      %jit3A_38 = arith.constant 1 : i32
      %jit3A_39 = arith.constant 0 : i32
      %broadcast_in_dim3A_40 = vector.broadcast %jit3A_38 : i32 to vector<16xi32>
      %broadcast_in_dim3A_41 = vector.broadcast %jit3A_39 : i32 to vector<16xi32>
      %select_n3A_42 = arith.select %ge3A_37, %broadcast_in_dim3A_40, %broadcast_in_dim3A_41 : vector<16xi1>, vector<16xi32>
      %add3A_43 = arith.addi %add3A_34, %select_n3A_42 : vector<16xi32>
      %ge3A_44 = arith.constant 507904 : i32
      %ge3A_45 = vector.broadcast %ge3A_44 : i32 to vector<16xi32>
      %ge3A_46 = arith.cmpi sge, %get3A_18, %ge3A_45 : vector<16xi32>
      %jit3A_47 = arith.constant 1 : i32
      %jit3A_48 = arith.constant 0 : i32
      %broadcast_in_dim3A_49 = vector.broadcast %jit3A_47 : i32 to vector<16xi32>
      %broadcast_in_dim3A_50 = vector.broadcast %jit3A_48 : i32 to vector<16xi32>
      %select_n3A_51 = arith.select %ge3A_46, %broadcast_in_dim3A_49, %broadcast_in_dim3A_50 : vector<16xi1>, vector<16xi32>
      %add3A_52 = arith.addi %add3A_43, %select_n3A_51 : vector<16xi32>
      %ge3A_53 = arith.constant 634880 : i32
      %ge3A_54 = vector.broadcast %ge3A_53 : i32 to vector<16xi32>
      %ge3A_55 = arith.cmpi sge, %get3A_18, %ge3A_54 : vector<16xi32>
      %jit3A_56 = arith.constant 1 : i32
      %jit3A_57 = arith.constant 0 : i32
      %broadcast_in_dim3A_58 = vector.broadcast %jit3A_56 : i32 to vector<16xi32>
      %broadcast_in_dim3A_59 = vector.broadcast %jit3A_57 : i32 to vector<16xi32>
      %select_n3A_60 = arith.select %ge3A_55, %broadcast_in_dim3A_58, %broadcast_in_dim3A_59 : vector<16xi1>, vector<16xi32>
      %add3A_61 = arith.addi %add3A_52, %select_n3A_60 : vector<16xi32>
      %ge3A_62 = arith.constant 761856 : i32
      %ge3A_63 = vector.broadcast %ge3A_62 : i32 to vector<16xi32>
      %ge3A_64 = arith.cmpi sge, %get3A_18, %ge3A_63 : vector<16xi32>
      %jit3A_65 = arith.constant 1 : i32
      %jit3A_66 = arith.constant 0 : i32
      %broadcast_in_dim3A_67 = vector.broadcast %jit3A_65 : i32 to vector<16xi32>
      %broadcast_in_dim3A_68 = vector.broadcast %jit3A_66 : i32 to vector<16xi32>
      %select_n3A_69 = arith.select %ge3A_64, %broadcast_in_dim3A_67, %broadcast_in_dim3A_68 : vector<16xi1>, vector<16xi32>
      %add3A_70 = arith.addi %add3A_61, %select_n3A_69 : vector<16xi32>
      %ge3A_71 = arith.constant 888832 : i32
      %ge3A_72 = vector.broadcast %ge3A_71 : i32 to vector<16xi32>
      %ge3A_73 = arith.cmpi sge, %get3A_18, %ge3A_72 : vector<16xi32>
      %jit3A_74 = arith.constant 1 : i32
      %jit3A_75 = arith.constant 0 : i32
      %broadcast_in_dim3A_76 = vector.broadcast %jit3A_74 : i32 to vector<16xi32>
      %broadcast_in_dim3A_77 = vector.broadcast %jit3A_75 : i32 to vector<16xi32>
      %select_n3A_78 = arith.select %ge3A_73, %broadcast_in_dim3A_76, %broadcast_in_dim3A_77 : vector<16xi1>, vector<16xi32>
      %add3A_79 = arith.addi %add3A_70, %select_n3A_78 : vector<16xi32>
      %mul3A_80 = arith.constant 126976 : i32
      %mul3A_81 = vector.broadcast %mul3A_80 : i32 to vector<16xi32>
      %mul3A_82 = arith.muli %add3A_79, %mul3A_81 : vector<16xi32>
      %sub3A = arith.subi %get3A_18, %mul3A_82 : vector<16xi32>
      %swap3A = arith.index_cast %mul3A_16 : i32 to index
      %swap3A_83 = tpu.vector_load %arg6[%swap3A] {strides = array<i32>} : memref<512xi32, #tpu.memory_space<vmem>>, vector<16xi32>,
      %swap3A_84 = vector.shape_cast %swap3A_83 : vector<16xi32> to vector<16xi32>
      %swap3A_85 = vector.shape_cast %sub3A : vector<16xi32> to vector<16xi32>
      tpu.vector_store %arg6[%swap3A], %swap3A_85 {strides = array<i32>} : memref<512xi32, #tpu.memory_space<vmem>>, vector<16xi32>,
      %scan3A_86 = arith.constant 0 : i32
      scf.yield %scan3A_86 : i32
    }
    %scan3A_8 = arith.constant 32 : i32
    %dma_start3A = arith.constant 0 : i32
    %dma_start3A_9 = arith.constant 0 : i32
    %dma_start3A_10 = tpu.memref_slice %arg3[%dma_start3A, %dma_start3A_9] : memref<126976x128xi32, #tpu.memory_space<hbm>> -> memref<126976x128xi32, #tpu.memory_space<hbm>>
    tpu.enqueue_indirect_dma source(%dma_start3A_10 : memref<126976x128xi32, #tpu.memory_space<hbm>>) target(%arg7 : memref<512x128xi32, #tpu.memory_space<vmem>>) offsets(%arg6 : memref<512xi32, #tpu.memory_space<vmem>>) semaphore(%arg8 : memref<!tpu.dma_semaphore, #tpu.memory_space<semaphore_mem>>)
    %dma_wait3A = arith.constant 0 : i32
    %dma_wait3A_11 = arith.constant 0 : i32
    %dma_wait3A_12 = tpu.memref_slice %arg3[%dma_wait3A, %dma_wait3A_11] : memref<126976x128xi32, #tpu.memory_space<hbm>> -> memref<126976x128xi32, #tpu.memory_space<hbm>>
    tpu.wait_indirect_dma semaphore(%arg8 : memref<!tpu.dma_semaphore, #tpu.memory_space<semaphore_mem>>) src(%dma_wait3A_12 : memref<126976x128xi32, #tpu.memory_space<hbm>>) dst(%arg7 : memref<512x128xi32, #tpu.memory_space<vmem>>)
    "tpu.region"() ({
      %run_scoped3A = tpu.sem_alloc : memref<!tpu.dma_semaphore, #tpu.memory_space<semaphore_mem>>
      %dma_start3A_13 = arith.constant 0 : i32
      %dma_start3A_14 = tpu.memref_slice %arg4[%mul3A_2, %dma_start3A_13] : memref<16384x128xi32, #tpu.memory_space<hbm>> -> memref<512x128xi32, #tpu.memory_space<hbm>>
      %dma_start3A_15 = arith.constant 0 : i32
      %dma_start3A_16 = tpu.memref_slice %arg4[%mul3A_2, %dma_start3A_15] : memref<16384x128xi32, #tpu.memory_space<hbm>> -> memref<512x128xi32, #tpu.memory_space<hbm>>
      tpu.enqueue_dma source(%arg7 : memref<512x128xi32, #tpu.memory_space<vmem>>) target(%dma_start3A_16 : memref<512x128xi32, #tpu.memory_space<hbm>>) target_semaphore(%run_scoped3A : memref<!tpu.dma_semaphore, #tpu.memory_space<semaphore_mem>>)
      %dma_wait3A_17 = arith.constant 0 : i32
      %dma_wait3A_18 = tpu.memref_slice %arg4[%mul3A_2, %dma_wait3A_17] : memref<16384x128xi32, #tpu.memory_space<hbm>> -> memref<512x128xi32, #tpu.memory_space<hbm>>
      %dma_wait3A_19 = arith.constant 0 : i32
      %dma_wait3A_20 = tpu.memref_slice %arg4[%mul3A_2, %dma_wait3A_19] : memref<16384x128xi32, #tpu.memory_space<hbm>> -> memref<512x128xi32, #tpu.memory_space<hbm>>
      tpu.wait_dma2 semaphore(%run_scoped3A : memref<!tpu.dma_semaphore, #tpu.memory_space<semaphore_mem>>) src(%arg7 : memref<512x128xi32, #tpu.memory_space<vmem>>) dst(%dma_wait3A_20 : memref<512x128xi32, #tpu.memory_space<hbm>>)
      tpu.yield
    }) : () -> ()
    return
  }
}

#map = affine_map<(d0, d1) -> (0)>
#map1 = affine_map<(d0, d1) -> (0, 0)>
module attributes {stable_mosaic.version = 14 : i64} {
  func.func @gather_kernel(%arg0: i32, %arg1: i32, %arg2: memref<16384xi32, #tpu.memory_space<hbm>>, %arg3: memref<14336x128xi32, #tpu.memory_space<hbm>>, %arg4: memref<16384x128xi32, #tpu.memory_space<hbm>>, %arg5: memref<512xi32, #tpu.memory_space<vmem>>, %arg6: memref<512xi32, #tpu.memory_space<vmem>>, %arg7: memref<512x128xi32, #tpu.memory_space<vmem>>, %arg8: memref<!tpu.dma_semaphore, #tpu.memory_space<semaphore_mem>>) attributes {dimension_semantics = [#tpu.dimension_semantics<core_parallel>, #tpu.dimension_semantics<subcore_parallel>], iteration_bounds = array<i64: 2, 16>, scalar_prefetch = 0 : i64, scratch_operands = 4 : i64, tpu.core_type = #tpu.core_type<sc_vector_subcore>, window_params = [{transform_indices = #map}, {transform_indices = #map1}, {transform_indices = #map1}]} {
    %mul3A = arith.constant 2 : i32
    %mul3A_0 = arith.muli %arg1, %mul3A : i32
    %add3A = arith.addi %mul3A_0, %arg0 : i32
    %mul3A_1 = arith.constant 512 : i32
    %mul3A_2 = arith.muli %add3A, %mul3A_1 : i32
    "tpu.region"() ({
      %run_scoped3A = tpu.sem_alloc : memref<!tpu.dma_semaphore, #tpu.memory_space<semaphore_mem>>
      %dma_start3A_13 = tpu.memref_slice %arg2[%mul3A_2] : memref<16384xi32, #tpu.memory_space<hbm>> -> memref<512xi32, #tpu.memory_space<hbm>>
      %dma_start3A_14 = tpu.memref_slice %arg2[%mul3A_2] : memref<16384xi32, #tpu.memory_space<hbm>> -> memref<512xi32, #tpu.memory_space<hbm>>
      tpu.enqueue_dma source(%dma_start3A_14 : memref<512xi32, #tpu.memory_space<hbm>>) target(%arg5 : memref<512xi32, #tpu.memory_space<vmem>>) target_semaphore(%run_scoped3A : memref<!tpu.dma_semaphore, #tpu.memory_space<semaphore_mem>>)
      %dma_wait3A_15 = tpu.memref_slice %arg2[%mul3A_2] : memref<16384xi32, #tpu.memory_space<hbm>> -> memref<512xi32, #tpu.memory_space<hbm>>
      %dma_wait3A_16 = tpu.memref_slice %arg2[%mul3A_2] : memref<16384xi32, #tpu.memory_space<hbm>> -> memref<512xi32, #tpu.memory_space<hbm>>
      tpu.wait_dma2 semaphore(%run_scoped3A : memref<!tpu.dma_semaphore, #tpu.memory_space<semaphore_mem>>) src(%dma_wait3A_16 : memref<512xi32, #tpu.memory_space<hbm>>) dst(%arg5 : memref<512xi32, #tpu.memory_space<vmem>>)
      tpu.yield
    }) : () -> ()
    %scan3A = arith.constant 0 : i32
    %scan3A_3 = arith.constant 0 : i32
    %scan3A_4 = arith.constant 32 : i32
    %scan3A_5 = arith.addi %scan3A_3, %scan3A_4 : i32
    %scan3A_6 = arith.constant 1 : i32
    %scan3A_7 = scf.for %scan3A_13 = %scan3A_3 to %scan3A_5 step %scan3A_6 iter_args(%scan3A_14 = %scan3A) -> (i32)  : i32 {
      %mul3A_15 = arith.constant 16 : i32
      %mul3A_16 = arith.muli %scan3A_13, %mul3A_15 : i32
      %get3A = arith.index_cast %mul3A_16 : i32 to index
      %get3A_17 = tpu.vector_load %arg5[%get3A] {strides = array<i32>} : memref<512xi32, #tpu.memory_space<vmem>>, vector<16xi32>,
      %get3A_18 = vector.shape_cast %get3A_17 : vector<16xi32> to vector<16xi32>
      %broadcast_in_dim3A = arith.constant 0 : i32
      %broadcast_in_dim3A_19 = vector.broadcast %broadcast_in_dim3A : i32 to vector<16xi32>
      %ge3A = arith.constant 14336 : i32
      %ge3A_20 = vector.broadcast %ge3A : i32 to vector<16xi32>
      %ge3A_21 = arith.cmpi sge, %get3A_18, %ge3A_20 : vector<16xi32>
      %jit3A = arith.constant 1 : i32
      %jit3A_22 = arith.constant 0 : i32
      %broadcast_in_dim3A_23 = vector.broadcast %jit3A : i32 to vector<16xi32>
      %broadcast_in_dim3A_24 = vector.broadcast %jit3A_22 : i32 to vector<16xi32>
      %select_n3A = arith.select %ge3A_21, %broadcast_in_dim3A_23, %broadcast_in_dim3A_24 : vector<16xi1>, vector<16xi32>
      %add3A_25 = arith.addi %broadcast_in_dim3A_19, %select_n3A : vector<16xi32>
      %ge3A_26 = arith.constant 28672 : i32
      %ge3A_27 = vector.broadcast %ge3A_26 : i32 to vector<16xi32>
      %ge3A_28 = arith.cmpi sge, %get3A_18, %ge3A_27 : vector<16xi32>
      %jit3A_29 = arith.constant 1 : i32
      %jit3A_30 = arith.constant 0 : i32
      %broadcast_in_dim3A_31 = vector.broadcast %jit3A_29 : i32 to vector<16xi32>
      %broadcast_in_dim3A_32 = vector.broadcast %jit3A_30 : i32 to vector<16xi32>
      %select_n3A_33 = arith.select %ge3A_28, %broadcast_in_dim3A_31, %broadcast_in_dim3A_32 : vector<16xi1>, vector<16xi32>
      %add3A_34 = arith.addi %add3A_25, %select_n3A_33 : vector<16xi32>
      %ge3A_35 = arith.constant 43008 : i32
      %ge3A_36 = vector.broadcast %ge3A_35 : i32 to vector<16xi32>
      %ge3A_37 = arith.cmpi sge, %get3A_18, %ge3A_36 : vector<16xi32>
      %jit3A_38 = arith.constant 1 : i32
      %jit3A_39 = arith.constant 0 : i32
      %broadcast_in_dim3A_40 = vector.broadcast %jit3A_38 : i32 to vector<16xi32>
      %broadcast_in_dim3A_41 = vector.broadcast %jit3A_39 : i32 to vector<16xi32>
      %select_n3A_42 = arith.select %ge3A_37, %broadcast_in_dim3A_40, %broadcast_in_dim3A_41 : vector<16xi1>, vector<16xi32>
      %add3A_43 = arith.addi %add3A_34, %select_n3A_42 : vector<16xi32>
      %ge3A_44 = arith.constant 57344 : i32
      %ge3A_45 = vector.broadcast %ge3A_44 : i32 to vector<16xi32>
      %ge3A_46 = arith.cmpi sge, %get3A_18, %ge3A_45 : vector<16xi32>
      %jit3A_47 = arith.constant 1 : i32
      %jit3A_48 = arith.constant 0 : i32
      %broadcast_in_dim3A_49 = vector.broadcast %jit3A_47 : i32 to vector<16xi32>
      %broadcast_in_dim3A_50 = vector.broadcast %jit3A_48 : i32 to vector<16xi32>
      %select_n3A_51 = arith.select %ge3A_46, %broadcast_in_dim3A_49, %broadcast_in_dim3A_50 : vector<16xi1>, vector<16xi32>
      %add3A_52 = arith.addi %add3A_43, %select_n3A_51 : vector<16xi32>
      %ge3A_53 = arith.constant 71680 : i32
      %ge3A_54 = vector.broadcast %ge3A_53 : i32 to vector<16xi32>
      %ge3A_55 = arith.cmpi sge, %get3A_18, %ge3A_54 : vector<16xi32>
      %jit3A_56 = arith.constant 1 : i32
      %jit3A_57 = arith.constant 0 : i32
      %broadcast_in_dim3A_58 = vector.broadcast %jit3A_56 : i32 to vector<16xi32>
      %broadcast_in_dim3A_59 = vector.broadcast %jit3A_57 : i32 to vector<16xi32>
      %select_n3A_60 = arith.select %ge3A_55, %broadcast_in_dim3A_58, %broadcast_in_dim3A_59 : vector<16xi1>, vector<16xi32>
      %add3A_61 = arith.addi %add3A_52, %select_n3A_60 : vector<16xi32>
      %ge3A_62 = arith.constant 86016 : i32
      %ge3A_63 = vector.broadcast %ge3A_62 : i32 to vector<16xi32>
      %ge3A_64 = arith.cmpi sge, %get3A_18, %ge3A_63 : vector<16xi32>
      %jit3A_65 = arith.constant 1 : i32
      %jit3A_66 = arith.constant 0 : i32
      %broadcast_in_dim3A_67 = vector.broadcast %jit3A_65 : i32 to vector<16xi32>
      %broadcast_in_dim3A_68 = vector.broadcast %jit3A_66 : i32 to vector<16xi32>
      %select_n3A_69 = arith.select %ge3A_64, %broadcast_in_dim3A_67, %broadcast_in_dim3A_68 : vector<16xi1>, vector<16xi32>
      %add3A_70 = arith.addi %add3A_61, %select_n3A_69 : vector<16xi32>
      %ge3A_71 = arith.constant 100352 : i32
      %ge3A_72 = vector.broadcast %ge3A_71 : i32 to vector<16xi32>
      %ge3A_73 = arith.cmpi sge, %get3A_18, %ge3A_72 : vector<16xi32>
      %jit3A_74 = arith.constant 1 : i32
      %jit3A_75 = arith.constant 0 : i32
      %broadcast_in_dim3A_76 = vector.broadcast %jit3A_74 : i32 to vector<16xi32>
      %broadcast_in_dim3A_77 = vector.broadcast %jit3A_75 : i32 to vector<16xi32>
      %select_n3A_78 = arith.select %ge3A_73, %broadcast_in_dim3A_76, %broadcast_in_dim3A_77 : vector<16xi1>, vector<16xi32>
      %add3A_79 = arith.addi %add3A_70, %select_n3A_78 : vector<16xi32>
      %mul3A_80 = arith.constant 14336 : i32
      %mul3A_81 = vector.broadcast %mul3A_80 : i32 to vector<16xi32>
      %mul3A_82 = arith.muli %add3A_79, %mul3A_81 : vector<16xi32>
      %sub3A = arith.subi %get3A_18, %mul3A_82 : vector<16xi32>
      %swap3A = arith.index_cast %mul3A_16 : i32 to index
      %swap3A_83 = tpu.vector_load %arg6[%swap3A] {strides = array<i32>} : memref<512xi32, #tpu.memory_space<vmem>>, vector<16xi32>,
      %swap3A_84 = vector.shape_cast %swap3A_83 : vector<16xi32> to vector<16xi32>
      %swap3A_85 = vector.shape_cast %sub3A : vector<16xi32> to vector<16xi32>
      tpu.vector_store %arg6[%swap3A], %swap3A_85 {strides = array<i32>} : memref<512xi32, #tpu.memory_space<vmem>>, vector<16xi32>,
      %scan3A_86 = arith.constant 0 : i32
      scf.yield %scan3A_86 : i32
    }
    %scan3A_8 = arith.constant 32 : i32
    %dma_start3A = arith.constant 0 : i32
    %dma_start3A_9 = arith.constant 0 : i32
    %dma_start3A_10 = tpu.memref_slice %arg3[%dma_start3A, %dma_start3A_9] : memref<14336x128xi32, #tpu.memory_space<hbm>> -> memref<14336x128xi32, #tpu.memory_space<hbm>>
    tpu.enqueue_indirect_dma source(%dma_start3A_10 : memref<14336x128xi32, #tpu.memory_space<hbm>>) target(%arg7 : memref<512x128xi32, #tpu.memory_space<vmem>>) offsets(%arg6 : memref<512xi32, #tpu.memory_space<vmem>>) semaphore(%arg8 : memref<!tpu.dma_semaphore, #tpu.memory_space<semaphore_mem>>)
    %dma_wait3A = arith.constant 0 : i32
    %dma_wait3A_11 = arith.constant 0 : i32
    %dma_wait3A_12 = tpu.memref_slice %arg3[%dma_wait3A, %dma_wait3A_11] : memref<14336x128xi32, #tpu.memory_space<hbm>> -> memref<14336x128xi32, #tpu.memory_space<hbm>>
    tpu.wait_indirect_dma semaphore(%arg8 : memref<!tpu.dma_semaphore, #tpu.memory_space<semaphore_mem>>) src(%dma_wait3A_12 : memref<14336x128xi32, #tpu.memory_space<hbm>>) dst(%arg7 : memref<512x128xi32, #tpu.memory_space<vmem>>)
    "tpu.region"() ({
      %run_scoped3A = tpu.sem_alloc : memref<!tpu.dma_semaphore, #tpu.memory_space<semaphore_mem>>
      %dma_start3A_13 = arith.constant 0 : i32
      %dma_start3A_14 = tpu.memref_slice %arg4[%mul3A_2, %dma_start3A_13] : memref<16384x128xi32, #tpu.memory_space<hbm>> -> memref<512x128xi32, #tpu.memory_space<hbm>>
      %dma_start3A_15 = arith.constant 0 : i32
      %dma_start3A_16 = tpu.memref_slice %arg4[%mul3A_2, %dma_start3A_15] : memref<16384x128xi32, #tpu.memory_space<hbm>> -> memref<512x128xi32, #tpu.memory_space<hbm>>
      tpu.enqueue_dma source(%arg7 : memref<512x128xi32, #tpu.memory_space<vmem>>) target(%dma_start3A_16 : memref<512x128xi32, #tpu.memory_space<hbm>>) target_semaphore(%run_scoped3A : memref<!tpu.dma_semaphore, #tpu.memory_space<semaphore_mem>>)
      %dma_wait3A_17 = arith.constant 0 : i32
      %dma_wait3A_18 = tpu.memref_slice %arg4[%mul3A_2, %dma_wait3A_17] : memref<16384x128xi32, #tpu.memory_space<hbm>> -> memref<512x128xi32, #tpu.memory_space<hbm>>
      %dma_wait3A_19 = arith.constant 0 : i32
      %dma_wait3A_20 = tpu.memref_slice %arg4[%mul3A_2, %dma_wait3A_19] : memref<16384x128xi32, #tpu.memory_space<hbm>> -> memref<512x128xi32, #tpu.memory_space<hbm>>
      tpu.wait_dma2 semaphore(%run_scoped3A : memref<!tpu.dma_semaphore, #tpu.memory_space<semaphore_mem>>) src(%arg7 : memref<512x128xi32, #tpu.memory_space<vmem>>) dst(%dma_wait3A_20 : memref<512x128xi32, #tpu.memory_space<hbm>>)
      tpu.yield
    }) : () -> ()
    return
  }
}

module attributes {stable_mosaic.version = 14 : i64} {
  func.func @_regroup_body(%arg0: i32, %arg1: memref<32x2048xf32, #tpu.memory_space<vmem>>, %arg2: memref<32x2048xf32, #tpu.memory_space<vmem>>, %arg3: memref<32x2048xf32, #tpu.memory_space<vmem>>, %arg4: memref<32x2048xf32, #tpu.memory_space<vmem>>, %arg5: memref<32x2048xf32, #tpu.memory_space<vmem>>, %arg6: memref<32x2048xf32, #tpu.memory_space<vmem>>, %arg7: memref<32x2048xf32, #tpu.memory_space<vmem>>, %arg8: memref<32x2048xf32, #tpu.memory_space<vmem>>, %arg9: memref<2048x128xi32, #tpu.memory_space<vmem>>) attributes {dimension_semantics = [#tpu.dimension_semantics<arbitrary>], iteration_bounds = array<i64: 7>, scalar_prefetch = 0 : i64, scratch_operands = 0 : i64, tpu.core_type = #tpu.core_type<tc>, window_params = [{transform_indices = @transform_0, window_bounds = array<i64: 32, 2048>}, {transform_indices = @transform_1, window_bounds = array<i64: 32, 2048>}, {transform_indices = @transform_2, window_bounds = array<i64: 32, 2048>}, {transform_indices = @transform_3, window_bounds = array<i64: 32, 2048>}, {transform_indices = @transform_4, window_bounds = array<i64: 32, 2048>}, {transform_indices = @transform_5, window_bounds = array<i64: 32, 2048>}, {transform_indices = @transform_6, window_bounds = array<i64: 32, 2048>}, {transform_indices = @transform_7, window_bounds = array<i64: 32, 2048>}, {transform_indices = @transform_8, window_bounds = array<i64: 2048, 128>}]} {
    %iota3A = tpu.iota {dimensions = array<i32: 0>} : vector<32x32xi32>
    %iota3A_0 = tpu.iota {dimensions = array<i32: 1>} : vector<32x32xi32>
    %add3A = arith.constant 0 : i32
    %add3A_1 = vector.broadcast %add3A : i32 to vector<32x32xi32>
    %add3A_2 = arith.addi %iota3A, %add3A_1 : vector<32x32xi32>
    %eq3A = arith.cmpi eq, %add3A_2, %iota3A_0 : vector<32x32xi32>
    %convert_element_type3A = arith.extui %eq3A : vector<32x32xi1> to vector<32x32xi32>
    %convert_element_type3A_3 = arith.sitofp %convert_element_type3A : vector<32x32xi32> to vector<32x32xf32>
    %get3A = arith.constant 0 : index
    %get3A_4 = arith.constant 0 : index
    %get3A_5 = vector.load %arg1[%get3A, %get3A_4] : memref<32x2048xf32, #tpu.memory_space<vmem>>, vector<32x2048xf32>
    %dot_general3A = arith.constant dense<0.000000e+00> : vector<2048x32xf32>
    %dot_general3A_6 = tpu.matmul %get3A_5, %convert_element_type3A_3, %dot_general3A {dimension_numbers = #tpu.dot_dimension_numbers<[0], [0], [1], [1], [0, 1, 1, 1], [], []>, transpose_lhs_hint = false} : vector<32x2048xf32>, vector<32x32xf32>, vector<2048x32xf32> -> vector<2048x32xf32>
    %get3A_7 = arith.constant 0 : index
    %get3A_8 = arith.constant 0 : index
    %get3A_9 = vector.load %arg2[%get3A_7, %get3A_8] : memref<32x2048xf32, #tpu.memory_space<vmem>>, vector<32x2048xf32>
    %dot_general3A_10 = arith.constant dense<0.000000e+00> : vector<2048x32xf32>
    %dot_general3A_11 = tpu.matmul %get3A_9, %convert_element_type3A_3, %dot_general3A_10 {dimension_numbers = #tpu.dot_dimension_numbers<[0], [0], [1], [1], [0, 1, 1, 1], [], []>, transpose_lhs_hint = false} : vector<32x2048xf32>, vector<32x32xf32>, vector<2048x32xf32> -> vector<2048x32xf32>
    %get3A_12 = arith.constant 0 : index
    %get3A_13 = arith.constant 0 : index
    %get3A_14 = vector.load %arg3[%get3A_12, %get3A_13] : memref<32x2048xf32, #tpu.memory_space<vmem>>, vector<32x2048xf32>
    %dot_general3A_15 = arith.constant dense<0.000000e+00> : vector<2048x32xf32>
    %dot_general3A_16 = tpu.matmul %get3A_14, %convert_element_type3A_3, %dot_general3A_15 {dimension_numbers = #tpu.dot_dimension_numbers<[0], [0], [1], [1], [0, 1, 1, 1], [], []>, transpose_lhs_hint = false} : vector<32x2048xf32>, vector<32x32xf32>, vector<2048x32xf32> -> vector<2048x32xf32>
    %get3A_17 = arith.constant 0 : index
    %get3A_18 = arith.constant 0 : index
    %get3A_19 = vector.load %arg4[%get3A_17, %get3A_18] : memref<32x2048xf32, #tpu.memory_space<vmem>>, vector<32x2048xf32>
    %dot_general3A_20 = arith.constant dense<0.000000e+00> : vector<2048x32xf32>
    %dot_general3A_21 = tpu.matmul %get3A_19, %convert_element_type3A_3, %dot_general3A_20 {dimension_numbers = #tpu.dot_dimension_numbers<[0], [0], [1], [1], [0, 1, 1, 1], [], []>, transpose_lhs_hint = false} : vector<32x2048xf32>, vector<32x32xf32>, vector<2048x32xf32> -> vector<2048x32xf32>
    %get3A_22 = arith.constant 0 : index
    %get3A_23 = arith.constant 0 : index
    %get3A_24 = vector.load %arg5[%get3A_22, %get3A_23] : memref<32x2048xf32, #tpu.memory_space<vmem>>, vector<32x2048xf32>
    %dot_general3A_25 = arith.constant dense<0.000000e+00> : vector<2048x32xf32>
    %dot_general3A_26 = tpu.matmul %get3A_24, %convert_element_type3A_3, %dot_general3A_25 {dimension_numbers = #tpu.dot_dimension_numbers<[0], [0], [1], [1], [0, 1, 1, 1], [], []>, transpose_lhs_hint = false} : vector<32x2048xf32>, vector<32x32xf32>, vector<2048x32xf32> -> vector<2048x32xf32>
    %get3A_27 = arith.constant 0 : index
    %get3A_28 = arith.constant 0 : index
    %get3A_29 = vector.load %arg6[%get3A_27, %get3A_28] : memref<32x2048xf32, #tpu.memory_space<vmem>>, vector<32x2048xf32>
    %dot_general3A_30 = arith.constant dense<0.000000e+00> : vector<2048x32xf32>
    %dot_general3A_31 = tpu.matmul %get3A_29, %convert_element_type3A_3, %dot_general3A_30 {dimension_numbers = #tpu.dot_dimension_numbers<[0], [0], [1], [1], [0, 1, 1, 1], [], []>, transpose_lhs_hint = false} : vector<32x2048xf32>, vector<32x32xf32>, vector<2048x32xf32> -> vector<2048x32xf32>
    %get3A_32 = arith.constant 0 : index
    %get3A_33 = arith.constant 0 : index
    %get3A_34 = vector.load %arg7[%get3A_32, %get3A_33] : memref<32x2048xf32, #tpu.memory_space<vmem>>, vector<32x2048xf32>
    %dot_general3A_35 = arith.constant dense<0.000000e+00> : vector<2048x32xf32>
    %dot_general3A_36 = tpu.matmul %get3A_34, %convert_element_type3A_3, %dot_general3A_35 {dimension_numbers = #tpu.dot_dimension_numbers<[0], [0], [1], [1], [0, 1, 1, 1], [], []>, transpose_lhs_hint = false} : vector<32x2048xf32>, vector<32x32xf32>, vector<2048x32xf32> -> vector<2048x32xf32>
    %get3A_37 = arith.constant 0 : index
    %get3A_38 = arith.constant 0 : index
    %get3A_39 = vector.load %arg8[%get3A_37, %get3A_38] : memref<32x2048xf32, #tpu.memory_space<vmem>>, vector<32x2048xf32>
    %dot_general3A_40 = arith.constant dense<0.000000e+00> : vector<2048x32xf32>
    %dot_general3A_41 = tpu.matmul %get3A_39, %convert_element_type3A_3, %dot_general3A_40 {dimension_numbers = #tpu.dot_dimension_numbers<[0], [0], [1], [1], [0, 1, 1, 1], [], []>, transpose_lhs_hint = false} : vector<32x2048xf32>, vector<32x32xf32>, vector<2048x32xf32> -> vector<2048x32xf32>
    %bitcast_convert_type3A = tpu.bitcast %dot_general3A_6 : vector<2048x32xf32> -> vector<2048x32xi32>
    %bitcast_convert_type3A_42 = tpu.bitcast %dot_general3A_11 : vector<2048x32xf32> -> vector<2048x32xi32>
    %shift_right_logical3A = arith.constant 16 : i32
    %shift_right_logical3A_43 = vector.broadcast %shift_right_logical3A : i32 to vector<2048x32xi32>
    %shift_right_logical3A_44 = arith.shrui %bitcast_convert_type3A, %shift_right_logical3A_43 : vector<2048x32xi32>
    %and3A = arith.constant -65536 : i32
    %and3A_45 = vector.broadcast %and3A : i32 to vector<2048x32xi32>
    %and3A_46 = arith.andi %bitcast_convert_type3A_42, %and3A_45 : vector<2048x32xi32>
    %or3A = arith.ori %shift_right_logical3A_44, %and3A_46 : vector<2048x32xi32>
    %swap3A = arith.constant 0 : index
    %swap3A_47 = arith.constant 0 : index
    %swap3A_48 = vector.load %arg9[%swap3A, %swap3A_47] : memref<2048x128xi32, #tpu.memory_space<vmem>>, vector<2048x32xi32>
    tpu.vector_store %arg9[%swap3A, %swap3A_47], %or3A {strides = array<i32>} : memref<2048x128xi32, #tpu.memory_space<vmem>>, vector<2048x32xi32>,
    %bitcast_convert_type3A_49 = tpu.bitcast %dot_general3A_16 : vector<2048x32xf32> -> vector<2048x32xi32>
    %bitcast_convert_type3A_50 = tpu.bitcast %dot_general3A_21 : vector<2048x32xf32> -> vector<2048x32xi32>
    %shift_right_logical3A_51 = arith.constant 16 : i32
    %shift_right_logical3A_52 = vector.broadcast %shift_right_logical3A_51 : i32 to vector<2048x32xi32>
    %shift_right_logical3A_53 = arith.shrui %bitcast_convert_type3A_49, %shift_right_logical3A_52 : vector<2048x32xi32>
    %and3A_54 = arith.constant -65536 : i32
    %and3A_55 = vector.broadcast %and3A_54 : i32 to vector<2048x32xi32>
    %and3A_56 = arith.andi %bitcast_convert_type3A_50, %and3A_55 : vector<2048x32xi32>
    %or3A_57 = arith.ori %shift_right_logical3A_53, %and3A_56 : vector<2048x32xi32>
    %swap3A_58 = arith.constant 0 : index
    %swap3A_59 = arith.constant 32 : index
    %swap3A_60 = vector.load %arg9[%swap3A_58, %swap3A_59] : memref<2048x128xi32, #tpu.memory_space<vmem>>, vector<2048x32xi32>
    tpu.vector_store %arg9[%swap3A_58, %swap3A_59], %or3A_57 {strides = array<i32>} : memref<2048x128xi32, #tpu.memory_space<vmem>>, vector<2048x32xi32>,
    %bitcast_convert_type3A_61 = tpu.bitcast %dot_general3A_26 : vector<2048x32xf32> -> vector<2048x32xi32>
    %bitcast_convert_type3A_62 = tpu.bitcast %dot_general3A_31 : vector<2048x32xf32> -> vector<2048x32xi32>
    %shift_right_logical3A_63 = arith.constant 16 : i32
    %shift_right_logical3A_64 = vector.broadcast %shift_right_logical3A_63 : i32 to vector<2048x32xi32>
    %shift_right_logical3A_65 = arith.shrui %bitcast_convert_type3A_61, %shift_right_logical3A_64 : vector<2048x32xi32>
    %and3A_66 = arith.constant -65536 : i32
    %and3A_67 = vector.broadcast %and3A_66 : i32 to vector<2048x32xi32>
    %and3A_68 = arith.andi %bitcast_convert_type3A_62, %and3A_67 : vector<2048x32xi32>
    %or3A_69 = arith.ori %shift_right_logical3A_65, %and3A_68 : vector<2048x32xi32>
    %swap3A_70 = arith.constant 0 : index
    %swap3A_71 = arith.constant 64 : index
    %swap3A_72 = vector.load %arg9[%swap3A_70, %swap3A_71] : memref<2048x128xi32, #tpu.memory_space<vmem>>, vector<2048x32xi32>
    tpu.vector_store %arg9[%swap3A_70, %swap3A_71], %or3A_69 {strides = array<i32>} : memref<2048x128xi32, #tpu.memory_space<vmem>>, vector<2048x32xi32>,
    %bitcast_convert_type3A_73 = tpu.bitcast %dot_general3A_36 : vector<2048x32xf32> -> vector<2048x32xi32>
    %bitcast_convert_type3A_74 = tpu.bitcast %dot_general3A_41 : vector<2048x32xf32> -> vector<2048x32xi32>
    %shift_right_logical3A_75 = arith.constant 16 : i32
    %shift_right_logical3A_76 = vector.broadcast %shift_right_logical3A_75 : i32 to vector<2048x32xi32>
    %shift_right_logical3A_77 = arith.shrui %bitcast_convert_type3A_73, %shift_right_logical3A_76 : vector<2048x32xi32>
    %and3A_78 = arith.constant -65536 : i32
    %and3A_79 = vector.broadcast %and3A_78 : i32 to vector<2048x32xi32>
    %and3A_80 = arith.andi %bitcast_convert_type3A_74, %and3A_79 : vector<2048x32xi32>
    %or3A_81 = arith.ori %shift_right_logical3A_77, %and3A_80 : vector<2048x32xi32>
    %swap3A_82 = arith.constant 0 : index
    %swap3A_83 = arith.constant 96 : index
    %swap3A_84 = vector.load %arg9[%swap3A_82, %swap3A_83] : memref<2048x128xi32, #tpu.memory_space<vmem>>, vector<2048x32xi32>
    tpu.vector_store %arg9[%swap3A_82, %swap3A_83], %or3A_81 {strides = array<i32>} : memref<2048x128xi32, #tpu.memory_space<vmem>>, vector<2048x32xi32>,
    return
  }
  func.func @transform_0(%arg0: i32) -> (i32, i32) {
    %add3A = arith.constant 0 : i32
    %add3A_0 = arith.addi %add3A, %arg0 : i32
    %min3A = arith.constant 48 : i32
    %min3A_1 = arith.minsi %add3A_0, %min3A : i32
    %c0_i32 = arith.constant 0 : i32
    %c0_i32_2 = arith.constant 0 : i32
    return %c0_i32, %min3A_1 : i32, i32
  }
  func.func @transform_1(%arg0: i32) -> (i32, i32) {
    %add3A = arith.constant 7 : i32
    %add3A_0 = arith.addi %add3A, %arg0 : i32
    %min3A = arith.constant 48 : i32
    %min3A_1 = arith.minsi %add3A_0, %min3A : i32
    %c0_i32 = arith.constant 0 : i32
    %c0_i32_2 = arith.constant 0 : i32
    return %c0_i32, %min3A_1 : i32, i32
  }
  func.func @transform_2(%arg0: i32) -> (i32, i32) {
    %add3A = arith.constant 14 : i32
    %add3A_0 = arith.addi %add3A, %arg0 : i32
    %min3A = arith.constant 48 : i32
    %min3A_1 = arith.minsi %add3A_0, %min3A : i32
    %c0_i32 = arith.constant 0 : i32
    %c0_i32_2 = arith.constant 0 : i32
    return %c0_i32, %min3A_1 : i32, i32
  }
  func.func @transform_3(%arg0: i32) -> (i32, i32) {
    %add3A = arith.constant 21 : i32
    %add3A_0 = arith.addi %add3A, %arg0 : i32
    %min3A = arith.constant 48 : i32
    %min3A_1 = arith.minsi %add3A_0, %min3A : i32
    %c0_i32 = arith.constant 0 : i32
    %c0_i32_2 = arith.constant 0 : i32
    return %c0_i32, %min3A_1 : i32, i32
  }
  func.func @transform_4(%arg0: i32) -> (i32, i32) {
    %add3A = arith.constant 28 : i32
    %add3A_0 = arith.addi %add3A, %arg0 : i32
    %min3A = arith.constant 48 : i32
    %min3A_1 = arith.minsi %add3A_0, %min3A : i32
    %c0_i32 = arith.constant 0 : i32
    %c0_i32_2 = arith.constant 0 : i32
    return %c0_i32, %min3A_1 : i32, i32
  }
  func.func @transform_5(%arg0: i32) -> (i32, i32) {
    %add3A = arith.constant 35 : i32
    %add3A_0 = arith.addi %add3A, %arg0 : i32
    %min3A = arith.constant 48 : i32
    %min3A_1 = arith.minsi %add3A_0, %min3A : i32
    %c0_i32 = arith.constant 0 : i32
    %c0_i32_2 = arith.constant 0 : i32
    return %c0_i32, %min3A_1 : i32, i32
  }
  func.func @transform_6(%arg0: i32) -> (i32, i32) {
    %add3A = arith.constant 42 : i32
    %add3A_0 = arith.addi %add3A, %arg0 : i32
    %min3A = arith.constant 48 : i32
    %min3A_1 = arith.minsi %add3A_0, %min3A : i32
    %c0_i32 = arith.constant 0 : i32
    %c0_i32_2 = arith.constant 0 : i32
    return %c0_i32, %min3A_1 : i32, i32
  }
  func.func @transform_7(%arg0: i32) -> (i32, i32) {
    %add3A = arith.constant 49 : i32
    %add3A_0 = arith.addi %add3A, %arg0 : i32
    %min3A = arith.constant 48 : i32
    %min3A_1 = arith.minsi %add3A_0, %min3A : i32
    %c0_i32 = arith.constant 0 : i32
    %c0_i32_2 = arith.constant 0 : i32
    return %c0_i32, %min3A_1 : i32, i32
  }
  func.func @transform_8(%arg0: i32) -> (i32, i32) {
    %c0_i32 = arith.constant 0 : i32
    %c0_i32_0 = arith.constant 0 : i32
    return %arg0, %c0_i32 : i32, i32
  }
}

module attributes {stable_mosaic.version = 14 : i64} {
  func.func @_regroup_body(%arg0: i32, %arg1: memref<32x4096xf32, #tpu.memory_space<vmem>>, %arg2: memref<32x4096xf32, #tpu.memory_space<vmem>>, %arg3: memref<32x4096xf32, #tpu.memory_space<vmem>>, %arg4: memref<32x4096xf32, #tpu.memory_space<vmem>>, %arg5: memref<32x4096xf32, #tpu.memory_space<vmem>>, %arg6: memref<32x4096xf32, #tpu.memory_space<vmem>>, %arg7: memref<32x4096xf32, #tpu.memory_space<vmem>>, %arg8: memref<32x4096xf32, #tpu.memory_space<vmem>>, %arg9: memref<4096x128xi32, #tpu.memory_space<vmem>>) attributes {dimension_semantics = [#tpu.dimension_semantics<arbitrary>], iteration_bounds = array<i64: 31>, scalar_prefetch = 0 : i64, scratch_operands = 0 : i64, tpu.core_type = #tpu.core_type<tc>, window_params = [{transform_indices = @transform_0, window_bounds = array<i64: 32, 4096>}, {transform_indices = @transform_1, window_bounds = array<i64: 32, 4096>}, {transform_indices = @transform_2, window_bounds = array<i64: 32, 4096>}, {transform_indices = @transform_3, window_bounds = array<i64: 32, 4096>}, {transform_indices = @transform_4, window_bounds = array<i64: 32, 4096>}, {transform_indices = @transform_5, window_bounds = array<i64: 32, 4096>}, {transform_indices = @transform_6, window_bounds = array<i64: 32, 4096>}, {transform_indices = @transform_7, window_bounds = array<i64: 32, 4096>}, {transform_indices = @transform_8, window_bounds = array<i64: 4096, 128>}]} {
    %iota3A = tpu.iota {dimensions = array<i32: 0>} : vector<32x32xi32>
    %iota3A_0 = tpu.iota {dimensions = array<i32: 1>} : vector<32x32xi32>
    %add3A = arith.constant 0 : i32
    %add3A_1 = vector.broadcast %add3A : i32 to vector<32x32xi32>
    %add3A_2 = arith.addi %iota3A, %add3A_1 : vector<32x32xi32>
    %eq3A = arith.cmpi eq, %add3A_2, %iota3A_0 : vector<32x32xi32>
    %convert_element_type3A = arith.extui %eq3A : vector<32x32xi1> to vector<32x32xi32>
    %convert_element_type3A_3 = arith.sitofp %convert_element_type3A : vector<32x32xi32> to vector<32x32xf32>
    %get3A = arith.constant 0 : index
    %get3A_4 = arith.constant 0 : index
    %get3A_5 = vector.load %arg1[%get3A, %get3A_4] : memref<32x4096xf32, #tpu.memory_space<vmem>>, vector<32x4096xf32>
    %dot_general3A = arith.constant dense<0.000000e+00> : vector<4096x32xf32>
    %dot_general3A_6 = tpu.matmul %get3A_5, %convert_element_type3A_3, %dot_general3A {dimension_numbers = #tpu.dot_dimension_numbers<[0], [0], [1], [1], [0, 1, 1, 1], [], []>, transpose_lhs_hint = false} : vector<32x4096xf32>, vector<32x32xf32>, vector<4096x32xf32> -> vector<4096x32xf32>
    %get3A_7 = arith.constant 0 : index
    %get3A_8 = arith.constant 0 : index
    %get3A_9 = vector.load %arg2[%get3A_7, %get3A_8] : memref<32x4096xf32, #tpu.memory_space<vmem>>, vector<32x4096xf32>
    %dot_general3A_10 = arith.constant dense<0.000000e+00> : vector<4096x32xf32>
    %dot_general3A_11 = tpu.matmul %get3A_9, %convert_element_type3A_3, %dot_general3A_10 {dimension_numbers = #tpu.dot_dimension_numbers<[0], [0], [1], [1], [0, 1, 1, 1], [], []>, transpose_lhs_hint = false} : vector<32x4096xf32>, vector<32x32xf32>, vector<4096x32xf32> -> vector<4096x32xf32>
    %get3A_12 = arith.constant 0 : index
    %get3A_13 = arith.constant 0 : index
    %get3A_14 = vector.load %arg3[%get3A_12, %get3A_13] : memref<32x4096xf32, #tpu.memory_space<vmem>>, vector<32x4096xf32>
    %dot_general3A_15 = arith.constant dense<0.000000e+00> : vector<4096x32xf32>
    %dot_general3A_16 = tpu.matmul %get3A_14, %convert_element_type3A_3, %dot_general3A_15 {dimension_numbers = #tpu.dot_dimension_numbers<[0], [0], [1], [1], [0, 1, 1, 1], [], []>, transpose_lhs_hint = false} : vector<32x4096xf32>, vector<32x32xf32>, vector<4096x32xf32> -> vector<4096x32xf32>
    %get3A_17 = arith.constant 0 : index
    %get3A_18 = arith.constant 0 : index
    %get3A_19 = vector.load %arg4[%get3A_17, %get3A_18] : memref<32x4096xf32, #tpu.memory_space<vmem>>, vector<32x4096xf32>
    %dot_general3A_20 = arith.constant dense<0.000000e+00> : vector<4096x32xf32>
    %dot_general3A_21 = tpu.matmul %get3A_19, %convert_element_type3A_3, %dot_general3A_20 {dimension_numbers = #tpu.dot_dimension_numbers<[0], [0], [1], [1], [0, 1, 1, 1], [], []>, transpose_lhs_hint = false} : vector<32x4096xf32>, vector<32x32xf32>, vector<4096x32xf32> -> vector<4096x32xf32>
    %get3A_22 = arith.constant 0 : index
    %get3A_23 = arith.constant 0 : index
    %get3A_24 = vector.load %arg5[%get3A_22, %get3A_23] : memref<32x4096xf32, #tpu.memory_space<vmem>>, vector<32x4096xf32>
    %dot_general3A_25 = arith.constant dense<0.000000e+00> : vector<4096x32xf32>
    %dot_general3A_26 = tpu.matmul %get3A_24, %convert_element_type3A_3, %dot_general3A_25 {dimension_numbers = #tpu.dot_dimension_numbers<[0], [0], [1], [1], [0, 1, 1, 1], [], []>, transpose_lhs_hint = false} : vector<32x4096xf32>, vector<32x32xf32>, vector<4096x32xf32> -> vector<4096x32xf32>
    %get3A_27 = arith.constant 0 : index
    %get3A_28 = arith.constant 0 : index
    %get3A_29 = vector.load %arg6[%get3A_27, %get3A_28] : memref<32x4096xf32, #tpu.memory_space<vmem>>, vector<32x4096xf32>
    %dot_general3A_30 = arith.constant dense<0.000000e+00> : vector<4096x32xf32>
    %dot_general3A_31 = tpu.matmul %get3A_29, %convert_element_type3A_3, %dot_general3A_30 {dimension_numbers = #tpu.dot_dimension_numbers<[0], [0], [1], [1], [0, 1, 1, 1], [], []>, transpose_lhs_hint = false} : vector<32x4096xf32>, vector<32x32xf32>, vector<4096x32xf32> -> vector<4096x32xf32>
    %get3A_32 = arith.constant 0 : index
    %get3A_33 = arith.constant 0 : index
    %get3A_34 = vector.load %arg7[%get3A_32, %get3A_33] : memref<32x4096xf32, #tpu.memory_space<vmem>>, vector<32x4096xf32>
    %dot_general3A_35 = arith.constant dense<0.000000e+00> : vector<4096x32xf32>
    %dot_general3A_36 = tpu.matmul %get3A_34, %convert_element_type3A_3, %dot_general3A_35 {dimension_numbers = #tpu.dot_dimension_numbers<[0], [0], [1], [1], [0, 1, 1, 1], [], []>, transpose_lhs_hint = false} : vector<32x4096xf32>, vector<32x32xf32>, vector<4096x32xf32> -> vector<4096x32xf32>
    %get3A_37 = arith.constant 0 : index
    %get3A_38 = arith.constant 0 : index
    %get3A_39 = vector.load %arg8[%get3A_37, %get3A_38] : memref<32x4096xf32, #tpu.memory_space<vmem>>, vector<32x4096xf32>
    %dot_general3A_40 = arith.constant dense<0.000000e+00> : vector<4096x32xf32>
    %dot_general3A_41 = tpu.matmul %get3A_39, %convert_element_type3A_3, %dot_general3A_40 {dimension_numbers = #tpu.dot_dimension_numbers<[0], [0], [1], [1], [0, 1, 1, 1], [], []>, transpose_lhs_hint = false} : vector<32x4096xf32>, vector<32x32xf32>, vector<4096x32xf32> -> vector<4096x32xf32>
    %bitcast_convert_type3A = tpu.bitcast %dot_general3A_6 : vector<4096x32xf32> -> vector<4096x32xi32>
    %bitcast_convert_type3A_42 = tpu.bitcast %dot_general3A_11 : vector<4096x32xf32> -> vector<4096x32xi32>
    %shift_right_logical3A = arith.constant 16 : i32
    %shift_right_logical3A_43 = vector.broadcast %shift_right_logical3A : i32 to vector<4096x32xi32>
    %shift_right_logical3A_44 = arith.shrui %bitcast_convert_type3A, %shift_right_logical3A_43 : vector<4096x32xi32>
    %and3A = arith.constant -65536 : i32
    %and3A_45 = vector.broadcast %and3A : i32 to vector<4096x32xi32>
    %and3A_46 = arith.andi %bitcast_convert_type3A_42, %and3A_45 : vector<4096x32xi32>
    %or3A = arith.ori %shift_right_logical3A_44, %and3A_46 : vector<4096x32xi32>
    %swap3A = arith.constant 0 : index
    %swap3A_47 = arith.constant 0 : index
    %swap3A_48 = vector.load %arg9[%swap3A, %swap3A_47] : memref<4096x128xi32, #tpu.memory_space<vmem>>, vector<4096x32xi32>
    tpu.vector_store %arg9[%swap3A, %swap3A_47], %or3A {strides = array<i32>} : memref<4096x128xi32, #tpu.memory_space<vmem>>, vector<4096x32xi32>,
    %bitcast_convert_type3A_49 = tpu.bitcast %dot_general3A_16 : vector<4096x32xf32> -> vector<4096x32xi32>
    %bitcast_convert_type3A_50 = tpu.bitcast %dot_general3A_21 : vector<4096x32xf32> -> vector<4096x32xi32>
    %shift_right_logical3A_51 = arith.constant 16 : i32
    %shift_right_logical3A_52 = vector.broadcast %shift_right_logical3A_51 : i32 to vector<4096x32xi32>
    %shift_right_logical3A_53 = arith.shrui %bitcast_convert_type3A_49, %shift_right_logical3A_52 : vector<4096x32xi32>
    %and3A_54 = arith.constant -65536 : i32
    %and3A_55 = vector.broadcast %and3A_54 : i32 to vector<4096x32xi32>
    %and3A_56 = arith.andi %bitcast_convert_type3A_50, %and3A_55 : vector<4096x32xi32>
    %or3A_57 = arith.ori %shift_right_logical3A_53, %and3A_56 : vector<4096x32xi32>
    %swap3A_58 = arith.constant 0 : index
    %swap3A_59 = arith.constant 32 : index
    %swap3A_60 = vector.load %arg9[%swap3A_58, %swap3A_59] : memref<4096x128xi32, #tpu.memory_space<vmem>>, vector<4096x32xi32>
    tpu.vector_store %arg9[%swap3A_58, %swap3A_59], %or3A_57 {strides = array<i32>} : memref<4096x128xi32, #tpu.memory_space<vmem>>, vector<4096x32xi32>,
    %bitcast_convert_type3A_61 = tpu.bitcast %dot_general3A_26 : vector<4096x32xf32> -> vector<4096x32xi32>
    %bitcast_convert_type3A_62 = tpu.bitcast %dot_general3A_31 : vector<4096x32xf32> -> vector<4096x32xi32>
    %shift_right_logical3A_63 = arith.constant 16 : i32
    %shift_right_logical3A_64 = vector.broadcast %shift_right_logical3A_63 : i32 to vector<4096x32xi32>
    %shift_right_logical3A_65 = arith.shrui %bitcast_convert_type3A_61, %shift_right_logical3A_64 : vector<4096x32xi32>
    %and3A_66 = arith.constant -65536 : i32
    %and3A_67 = vector.broadcast %and3A_66 : i32 to vector<4096x32xi32>
    %and3A_68 = arith.andi %bitcast_convert_type3A_62, %and3A_67 : vector<4096x32xi32>
    %or3A_69 = arith.ori %shift_right_logical3A_65, %and3A_68 : vector<4096x32xi32>
    %swap3A_70 = arith.constant 0 : index
    %swap3A_71 = arith.constant 64 : index
    %swap3A_72 = vector.load %arg9[%swap3A_70, %swap3A_71] : memref<4096x128xi32, #tpu.memory_space<vmem>>, vector<4096x32xi32>
    tpu.vector_store %arg9[%swap3A_70, %swap3A_71], %or3A_69 {strides = array<i32>} : memref<4096x128xi32, #tpu.memory_space<vmem>>, vector<4096x32xi32>,
    %bitcast_convert_type3A_73 = tpu.bitcast %dot_general3A_36 : vector<4096x32xf32> -> vector<4096x32xi32>
    %bitcast_convert_type3A_74 = tpu.bitcast %dot_general3A_41 : vector<4096x32xf32> -> vector<4096x32xi32>
    %shift_right_logical3A_75 = arith.constant 16 : i32
    %shift_right_logical3A_76 = vector.broadcast %shift_right_logical3A_75 : i32 to vector<4096x32xi32>
    %shift_right_logical3A_77 = arith.shrui %bitcast_convert_type3A_73, %shift_right_logical3A_76 : vector<4096x32xi32>
    %and3A_78 = arith.constant -65536 : i32
    %and3A_79 = vector.broadcast %and3A_78 : i32 to vector<4096x32xi32>
    %and3A_80 = arith.andi %bitcast_convert_type3A_74, %and3A_79 : vector<4096x32xi32>
    %or3A_81 = arith.ori %shift_right_logical3A_77, %and3A_80 : vector<4096x32xi32>
    %swap3A_82 = arith.constant 0 : index
    %swap3A_83 = arith.constant 96 : index
    %swap3A_84 = vector.load %arg9[%swap3A_82, %swap3A_83] : memref<4096x128xi32, #tpu.memory_space<vmem>>, vector<4096x32xi32>
    tpu.vector_store %arg9[%swap3A_82, %swap3A_83], %or3A_81 {strides = array<i32>} : memref<4096x128xi32, #tpu.memory_space<vmem>>, vector<4096x32xi32>,
    return
  }
  func.func @transform_0(%arg0: i32) -> (i32, i32) {
    %add3A = arith.constant 0 : i32
    %add3A_0 = arith.addi %add3A, %arg0 : i32
    %min3A = arith.constant 244 : i32
    %min3A_1 = arith.minsi %add3A_0, %min3A : i32
    %c0_i32 = arith.constant 0 : i32
    %c0_i32_2 = arith.constant 0 : i32
    return %c0_i32, %min3A_1 : i32, i32
  }
  func.func @transform_1(%arg0: i32) -> (i32, i32) {
    %add3A = arith.constant 31 : i32
    %add3A_0 = arith.addi %add3A, %arg0 : i32
    %min3A = arith.constant 244 : i32
    %min3A_1 = arith.minsi %add3A_0, %min3A : i32
    %c0_i32 = arith.constant 0 : i32
    %c0_i32_2 = arith.constant 0 : i32
    return %c0_i32, %min3A_1 : i32, i32
  }
  func.func @transform_2(%arg0: i32) -> (i32, i32) {
    %add3A = arith.constant 62 : i32
    %add3A_0 = arith.addi %add3A, %arg0 : i32
    %min3A = arith.constant 244 : i32
    %min3A_1 = arith.minsi %add3A_0, %min3A : i32
    %c0_i32 = arith.constant 0 : i32
    %c0_i32_2 = arith.constant 0 : i32
    return %c0_i32, %min3A_1 : i32, i32
  }
  func.func @transform_3(%arg0: i32) -> (i32, i32) {
    %add3A = arith.constant 93 : i32
    %add3A_0 = arith.addi %add3A, %arg0 : i32
    %min3A = arith.constant 244 : i32
    %min3A_1 = arith.minsi %add3A_0, %min3A : i32
    %c0_i32 = arith.constant 0 : i32
    %c0_i32_2 = arith.constant 0 : i32
    return %c0_i32, %min3A_1 : i32, i32
  }
  func.func @transform_4(%arg0: i32) -> (i32, i32) {
    %add3A = arith.constant 124 : i32
    %add3A_0 = arith.addi %add3A, %arg0 : i32
    %min3A = arith.constant 244 : i32
    %min3A_1 = arith.minsi %add3A_0, %min3A : i32
    %c0_i32 = arith.constant 0 : i32
    %c0_i32_2 = arith.constant 0 : i32
    return %c0_i32, %min3A_1 : i32, i32
  }
  func.func @transform_5(%arg0: i32) -> (i32, i32) {
    %add3A = arith.constant 155 : i32
    %add3A_0 = arith.addi %add3A, %arg0 : i32
    %min3A = arith.constant 244 : i32
    %min3A_1 = arith.minsi %add3A_0, %min3A : i32
    %c0_i32 = arith.constant 0 : i32
    %c0_i32_2 = arith.constant 0 : i32
    return %c0_i32, %min3A_1 : i32, i32
  }
  func.func @transform_6(%arg0: i32) -> (i32, i32) {
    %add3A = arith.constant 186 : i32
    %add3A_0 = arith.addi %add3A, %arg0 : i32
    %min3A = arith.constant 244 : i32
    %min3A_1 = arith.minsi %add3A_0, %min3A : i32
    %c0_i32 = arith.constant 0 : i32
    %c0_i32_2 = arith.constant 0 : i32
    return %c0_i32, %min3A_1 : i32, i32
  }
  func.func @transform_7(%arg0: i32) -> (i32, i32) {
    %add3A = arith.constant 217 : i32
    %add3A_0 = arith.addi %add3A, %arg0 : i32
    %min3A = arith.constant 244 : i32
    %min3A_1 = arith.minsi %add3A_0, %min3A : i32
    %c0_i32 = arith.constant 0 : i32
    %c0_i32_2 = arith.constant 0 : i32
    return %c0_i32, %min3A_1 : i32, i32
  }
  func.func @transform_8(%arg0: i32) -> (i32, i32) {
    %c0_i32 = arith.constant 0 : i32
    %c0_i32_0 = arith.constant 0 : i32
    return %arg0, %c0_i32 : i32, i32
  }
}

module attributes {stable_mosaic.version = 14 : i64} {
  func.func @_mlp_body(%arg0: i32, %arg1: memref<1024x128xi32, #tpu.memory_space<vmem>>, %arg2: memref<1024x128xi32, #tpu.memory_space<vmem>>, %arg3: memref<1024x1xi32, #tpu.memory_space<vmem>>, %arg4: memref<1024x1xi32, #tpu.memory_space<vmem>>, %arg5: memref<32x256xbf16, #tpu.memory_space<vmem>>, %arg6: memref<32x256xbf16, #tpu.memory_space<vmem>>, %arg7: memref<1x256xf32, #tpu.memory_space<vmem>>, %arg8: memref<256x64xf32, #tpu.memory_space<vmem>>, %arg9: memref<1x64xf32, #tpu.memory_space<vmem>>, %arg10: memref<1x64xf32, #tpu.memory_space<vmem>>, %arg11: memref<1x1xf32, #tpu.memory_space<vmem>>, %arg12: memref<1024x1xf32, #tpu.memory_space<vmem>>) attributes {dimension_semantics = [#tpu.dimension_semantics<arbitrary>], iteration_bounds = array<i64: 16>, scalar_prefetch = 0 : i64, scratch_operands = 0 : i64, tpu.core_type = #tpu.core_type<tc>, window_params = [{transform_indices = @transform_0, window_bounds = array<i64: 1024, 128>}, {transform_indices = @transform_1, window_bounds = array<i64: 1024, 128>}, {transform_indices = @transform_2, window_bounds = array<i64: 1024, 1>}, {transform_indices = @transform_3, window_bounds = array<i64: 1024, 1>}, {pipeline_mode = #tpu.pipeline_mode<synchronous>, transform_indices = @transform_4, window_bounds = array<i64: 32, 256>}, {pipeline_mode = #tpu.pipeline_mode<synchronous>, transform_indices = @transform_5, window_bounds = array<i64: 32, 256>}, {pipeline_mode = #tpu.pipeline_mode<synchronous>, transform_indices = @transform_6, window_bounds = array<i64: 1, 256>}, {pipeline_mode = #tpu.pipeline_mode<synchronous>, transform_indices = @transform_7, window_bounds = array<i64: 256, 64>}, {pipeline_mode = #tpu.pipeline_mode<synchronous>, transform_indices = @transform_8, window_bounds = array<i64: 1, 64>}, {pipeline_mode = #tpu.pipeline_mode<synchronous>, transform_indices = @transform_9, window_bounds = array<i64: 1, 64>}, {pipeline_mode = #tpu.pipeline_mode<synchronous>, transform_indices = @transform_10, window_bounds = array<i64: 1, 1>}, {transform_indices = @transform_11, window_bounds = array<i64: 1024, 1>}]} {
    %get3A = arith.constant 0 : index
    %get3A_0 = arith.constant 0 : index
    %get3A_1 = vector.load %arg1[%get3A, %get3A_0] : memref<1024x128xi32, #tpu.memory_space<vmem>>, vector<1024x128xi32>
    %get3A_2 = arith.constant 0 : index
    %get3A_3 = arith.constant 0 : index
    %get3A_4 = vector.load %arg3[%get3A_2, %get3A_3] : memref<1024x1xi32, #tpu.memory_space<vmem>>, vector<1024x1xi32>
    %broadcast_in_dim3A = arith.constant 0 : i32
    %broadcast_in_dim3A_5 = vector.broadcast %broadcast_in_dim3A : i32 to vector<1024x1xi32>
    %ge3A = arith.constant 126976 : i32
    %ge3A_6 = vector.broadcast %ge3A : i32 to vector<1024x1xi32>
    %ge3A_7 = arith.cmpi sge, %get3A_4, %ge3A_6 : vector<1024x1xi32>
    %jit3A = arith.constant 1 : i32
    %jit3A_8 = arith.constant 0 : i32
    %broadcast_in_dim3A_9 = vector.broadcast %jit3A : i32 to vector<1024x1xi32>
    %broadcast_in_dim3A_10 = vector.broadcast %jit3A_8 : i32 to vector<1024x1xi32>
    %select_n3A = arith.select %ge3A_7, %broadcast_in_dim3A_9, %broadcast_in_dim3A_10 : vector<1024x1xi1>, vector<1024x1xi32>
    %add3A = arith.addi %broadcast_in_dim3A_5, %select_n3A : vector<1024x1xi32>
    %ge3A_11 = arith.constant 253952 : i32
    %ge3A_12 = vector.broadcast %ge3A_11 : i32 to vector<1024x1xi32>
    %ge3A_13 = arith.cmpi sge, %get3A_4, %ge3A_12 : vector<1024x1xi32>
    %jit3A_14 = arith.constant 1 : i32
    %jit3A_15 = arith.constant 0 : i32
    %broadcast_in_dim3A_16 = vector.broadcast %jit3A_14 : i32 to vector<1024x1xi32>
    %broadcast_in_dim3A_17 = vector.broadcast %jit3A_15 : i32 to vector<1024x1xi32>
    %select_n3A_18 = arith.select %ge3A_13, %broadcast_in_dim3A_16, %broadcast_in_dim3A_17 : vector<1024x1xi1>, vector<1024x1xi32>
    %add3A_19 = arith.addi %add3A, %select_n3A_18 : vector<1024x1xi32>
    %ge3A_20 = arith.constant 380928 : i32
    %ge3A_21 = vector.broadcast %ge3A_20 : i32 to vector<1024x1xi32>
    %ge3A_22 = arith.cmpi sge, %get3A_4, %ge3A_21 : vector<1024x1xi32>
    %jit3A_23 = arith.constant 1 : i32
    %jit3A_24 = arith.constant 0 : i32
    %broadcast_in_dim3A_25 = vector.broadcast %jit3A_23 : i32 to vector<1024x1xi32>
    %broadcast_in_dim3A_26 = vector.broadcast %jit3A_24 : i32 to vector<1024x1xi32>
    %select_n3A_27 = arith.select %ge3A_22, %broadcast_in_dim3A_25, %broadcast_in_dim3A_26 : vector<1024x1xi1>, vector<1024x1xi32>
    %add3A_28 = arith.addi %add3A_19, %select_n3A_27 : vector<1024x1xi32>
    %ge3A_29 = arith.constant 507904 : i32
    %ge3A_30 = vector.broadcast %ge3A_29 : i32 to vector<1024x1xi32>
    %ge3A_31 = arith.cmpi sge, %get3A_4, %ge3A_30 : vector<1024x1xi32>
    %jit3A_32 = arith.constant 1 : i32
    %jit3A_33 = arith.constant 0 : i32
    %broadcast_in_dim3A_34 = vector.broadcast %jit3A_32 : i32 to vector<1024x1xi32>
    %broadcast_in_dim3A_35 = vector.broadcast %jit3A_33 : i32 to vector<1024x1xi32>
    %select_n3A_36 = arith.select %ge3A_31, %broadcast_in_dim3A_34, %broadcast_in_dim3A_35 : vector<1024x1xi1>, vector<1024x1xi32>
    %add3A_37 = arith.addi %add3A_28, %select_n3A_36 : vector<1024x1xi32>
    %ge3A_38 = arith.constant 634880 : i32
    %ge3A_39 = vector.broadcast %ge3A_38 : i32 to vector<1024x1xi32>
    %ge3A_40 = arith.cmpi sge, %get3A_4, %ge3A_39 : vector<1024x1xi32>
    %jit3A_41 = arith.constant 1 : i32
    %jit3A_42 = arith.constant 0 : i32
    %broadcast_in_dim3A_43 = vector.broadcast %jit3A_41 : i32 to vector<1024x1xi32>
    %broadcast_in_dim3A_44 = vector.broadcast %jit3A_42 : i32 to vector<1024x1xi32>
    %select_n3A_45 = arith.select %ge3A_40, %broadcast_in_dim3A_43, %broadcast_in_dim3A_44 : vector<1024x1xi1>, vector<1024x1xi32>
    %add3A_46 = arith.addi %add3A_37, %select_n3A_45 : vector<1024x1xi32>
    %ge3A_47 = arith.constant 761856 : i32
    %ge3A_48 = vector.broadcast %ge3A_47 : i32 to vector<1024x1xi32>
    %ge3A_49 = arith.cmpi sge, %get3A_4, %ge3A_48 : vector<1024x1xi32>
    %jit3A_50 = arith.constant 1 : i32
    %jit3A_51 = arith.constant 0 : i32
    %broadcast_in_dim3A_52 = vector.broadcast %jit3A_50 : i32 to vector<1024x1xi32>
    %broadcast_in_dim3A_53 = vector.broadcast %jit3A_51 : i32 to vector<1024x1xi32>
    %select_n3A_54 = arith.select %ge3A_49, %broadcast_in_dim3A_52, %broadcast_in_dim3A_53 : vector<1024x1xi1>, vector<1024x1xi32>
    %add3A_55 = arith.addi %add3A_46, %select_n3A_54 : vector<1024x1xi32>
    %ge3A_56 = arith.constant 888832 : i32
    %ge3A_57 = vector.broadcast %ge3A_56 : i32 to vector<1024x1xi32>
    %ge3A_58 = arith.cmpi sge, %get3A_4, %ge3A_57 : vector<1024x1xi32>
    %jit3A_59 = arith.constant 1 : i32
    %jit3A_60 = arith.constant 0 : i32
    %broadcast_in_dim3A_61 = vector.broadcast %jit3A_59 : i32 to vector<1024x1xi32>
    %broadcast_in_dim3A_62 = vector.broadcast %jit3A_60 : i32 to vector<1024x1xi32>
    %select_n3A_63 = arith.select %ge3A_58, %broadcast_in_dim3A_61, %broadcast_in_dim3A_62 : vector<1024x1xi1>, vector<1024x1xi32>
    %add3A_64 = arith.addi %add3A_55, %select_n3A_63 : vector<1024x1xi32>
    %shift_right_logical3A = arith.constant 1 : i32
    %shift_right_logical3A_65 = vector.broadcast %shift_right_logical3A : i32 to vector<1024x1xi32>
    %shift_right_logical3A_66 = arith.shrui %add3A_64, %shift_right_logical3A_65 : vector<1024x1xi32>
    %and3A = arith.constant 1 : i32
    %and3A_67 = vector.broadcast %and3A : i32 to vector<1024x1xi32>
    %and3A_68 = arith.andi %add3A_64, %and3A_67 : vector<1024x1xi32>
    %broadcast_in_dim3A_69 = arith.constant 0 : i32
    %broadcast_in_dim3A_70 = vector.broadcast %broadcast_in_dim3A_69 : i32 to vector<1024x32xi32>
    %eq3A = arith.constant 0 : i32
    %eq3A_71 = vector.broadcast %eq3A : i32 to vector<1024x1xi32>
    %eq3A_72 = arith.cmpi eq, %shift_right_logical3A_66, %eq3A_71 : vector<1024x1xi32>
    %slice3A = vector.extract_strided_slice %get3A_1 {offsets = [0, 0], sizes = [1024, 32], strides = [1, 1]} : vector<1024x128xi32> to vector<1024x32xi32>
    %jit3A_73 = arith.constant 0 : i32
    %broadcast_in_dim3A_74 = vector.shape_cast %eq3A_72 : vector<1024x1xi1> to vector<1024x1xi1>
    %broadcast_in_dim3A_75 = vector.broadcast %broadcast_in_dim3A_74 : vector<1024x1xi1> to vector<1024x32xi1>
    %broadcast_in_dim3A_76 = vector.broadcast %jit3A_73 : i32 to vector<1024x32xi32>
    %select_n3A_77 = arith.select %broadcast_in_dim3A_75, %slice3A, %broadcast_in_dim3A_76 : vector<1024x32xi1>, vector<1024x32xi32>
    %add3A_78 = arith.addi %broadcast_in_dim3A_70, %select_n3A_77 : vector<1024x32xi32>
    %eq3A_79 = arith.constant 1 : i32
    %eq3A_80 = vector.broadcast %eq3A_79 : i32 to vector<1024x1xi32>
    %eq3A_81 = arith.cmpi eq, %shift_right_logical3A_66, %eq3A_80 : vector<1024x1xi32>
    %slice3A_82 = vector.extract_strided_slice %get3A_1 {offsets = [0, 32], sizes = [1024, 32], strides = [1, 1]} : vector<1024x128xi32> to vector<1024x32xi32>
    %jit3A_83 = arith.constant 0 : i32
    %broadcast_in_dim3A_84 = vector.shape_cast %eq3A_81 : vector<1024x1xi1> to vector<1024x1xi1>
    %broadcast_in_dim3A_85 = vector.broadcast %broadcast_in_dim3A_84 : vector<1024x1xi1> to vector<1024x32xi1>
    %broadcast_in_dim3A_86 = vector.broadcast %jit3A_83 : i32 to vector<1024x32xi32>
    %select_n3A_87 = arith.select %broadcast_in_dim3A_85, %slice3A_82, %broadcast_in_dim3A_86 : vector<1024x32xi1>, vector<1024x32xi32>
    %add3A_88 = arith.addi %add3A_78, %select_n3A_87 : vector<1024x32xi32>
    %eq3A_89 = arith.constant 2 : i32
    %eq3A_90 = vector.broadcast %eq3A_89 : i32 to vector<1024x1xi32>
    %eq3A_91 = arith.cmpi eq, %shift_right_logical3A_66, %eq3A_90 : vector<1024x1xi32>
    %slice3A_92 = vector.extract_strided_slice %get3A_1 {offsets = [0, 64], sizes = [1024, 32], strides = [1, 1]} : vector<1024x128xi32> to vector<1024x32xi32>
    %jit3A_93 = arith.constant 0 : i32
    %broadcast_in_dim3A_94 = vector.shape_cast %eq3A_91 : vector<1024x1xi1> to vector<1024x1xi1>
    %broadcast_in_dim3A_95 = vector.broadcast %broadcast_in_dim3A_94 : vector<1024x1xi1> to vector<1024x32xi1>
    %broadcast_in_dim3A_96 = vector.broadcast %jit3A_93 : i32 to vector<1024x32xi32>
    %select_n3A_97 = arith.select %broadcast_in_dim3A_95, %slice3A_92, %broadcast_in_dim3A_96 : vector<1024x32xi1>, vector<1024x32xi32>
    %add3A_98 = arith.addi %add3A_88, %select_n3A_97 : vector<1024x32xi32>
    %eq3A_99 = arith.constant 3 : i32
    %eq3A_100 = vector.broadcast %eq3A_99 : i32 to vector<1024x1xi32>
    %eq3A_101 = arith.cmpi eq, %shift_right_logical3A_66, %eq3A_100 : vector<1024x1xi32>
    %slice3A_102 = vector.extract_strided_slice %get3A_1 {offsets = [0, 96], sizes = [1024, 32], strides = [1, 1]} : vector<1024x128xi32> to vector<1024x32xi32>
    %jit3A_103 = arith.constant 0 : i32
    %broadcast_in_dim3A_104 = vector.shape_cast %eq3A_101 : vector<1024x1xi1> to vector<1024x1xi1>
    %broadcast_in_dim3A_105 = vector.broadcast %broadcast_in_dim3A_104 : vector<1024x1xi1> to vector<1024x32xi1>
    %broadcast_in_dim3A_106 = vector.broadcast %jit3A_103 : i32 to vector<1024x32xi32>
    %select_n3A_107 = arith.select %broadcast_in_dim3A_105, %slice3A_102, %broadcast_in_dim3A_106 : vector<1024x32xi1>, vector<1024x32xi32>
    %add3A_108 = arith.addi %add3A_98, %select_n3A_107 : vector<1024x32xi32>
    %eq3A_109 = arith.constant 1 : i32
    %eq3A_110 = vector.broadcast %eq3A_109 : i32 to vector<1024x1xi32>
    %eq3A_111 = arith.cmpi eq, %and3A_68, %eq3A_110 : vector<1024x1xi32>
    %shift_right_logical3A_112 = arith.constant 16 : i32
    %shift_right_logical3A_113 = vector.broadcast %shift_right_logical3A_112 : i32 to vector<1024x32xi32>
    %shift_right_logical3A_114 = arith.shrui %add3A_108, %shift_right_logical3A_113 : vector<1024x32xi32>
    %broadcast_in_dim3A_115 = vector.shape_cast %eq3A_111 : vector<1024x1xi1> to vector<1024x1xi1>
    %broadcast_in_dim3A_116 = vector.broadcast %broadcast_in_dim3A_115 : vector<1024x1xi1> to vector<1024x32xi1>
    %select_n3A_117 = arith.select %broadcast_in_dim3A_116, %shift_right_logical3A_114, %add3A_108 : vector<1024x32xi1>, vector<1024x32xi32>
    %shift_left3A = arith.constant 16 : i32
    %shift_left3A_118 = vector.broadcast %shift_left3A : i32 to vector<1024x32xi32>
    %shift_left3A_119 = arith.shli %select_n3A_117, %shift_left3A_118 : vector<1024x32xi32>
    %bitcast_convert_type3A = tpu.bitcast %shift_left3A_119 : vector<1024x32xi32> -> vector<1024x32xf32>
    %convert_element_type3A = arith.truncf %bitcast_convert_type3A : vector<1024x32xf32> to vector<1024x32xbf16>
    %get3A_120 = arith.constant 0 : index
    %get3A_121 = arith.constant 0 : index
    %get3A_122 = vector.load %arg2[%get3A_120, %get3A_121] : memref<1024x128xi32, #tpu.memory_space<vmem>>, vector<1024x128xi32>
    %get3A_123 = arith.constant 0 : index
    %get3A_124 = arith.constant 0 : index
    %get3A_125 = vector.load %arg4[%get3A_123, %get3A_124] : memref<1024x1xi32, #tpu.memory_space<vmem>>, vector<1024x1xi32>
    %broadcast_in_dim3A_126 = arith.constant 0 : i32
    %broadcast_in_dim3A_127 = vector.broadcast %broadcast_in_dim3A_126 : i32 to vector<1024x1xi32>
    %ge3A_128 = arith.constant 14336 : i32
    %ge3A_129 = vector.broadcast %ge3A_128 : i32 to vector<1024x1xi32>
    %ge3A_130 = arith.cmpi sge, %get3A_125, %ge3A_129 : vector<1024x1xi32>
    %jit3A_131 = arith.constant 1 : i32
    %jit3A_132 = arith.constant 0 : i32
    %broadcast_in_dim3A_133 = vector.broadcast %jit3A_131 : i32 to vector<1024x1xi32>
    %broadcast_in_dim3A_134 = vector.broadcast %jit3A_132 : i32 to vector<1024x1xi32>
    %select_n3A_135 = arith.select %ge3A_130, %broadcast_in_dim3A_133, %broadcast_in_dim3A_134 : vector<1024x1xi1>, vector<1024x1xi32>
    %add3A_136 = arith.addi %broadcast_in_dim3A_127, %select_n3A_135 : vector<1024x1xi32>
    %ge3A_137 = arith.constant 28672 : i32
    %ge3A_138 = vector.broadcast %ge3A_137 : i32 to vector<1024x1xi32>
    %ge3A_139 = arith.cmpi sge, %get3A_125, %ge3A_138 : vector<1024x1xi32>
    %jit3A_140 = arith.constant 1 : i32
    %jit3A_141 = arith.constant 0 : i32
    %broadcast_in_dim3A_142 = vector.broadcast %jit3A_140 : i32 to vector<1024x1xi32>
    %broadcast_in_dim3A_143 = vector.broadcast %jit3A_141 : i32 to vector<1024x1xi32>
    %select_n3A_144 = arith.select %ge3A_139, %broadcast_in_dim3A_142, %broadcast_in_dim3A_143 : vector<1024x1xi1>, vector<1024x1xi32>
    %add3A_145 = arith.addi %add3A_136, %select_n3A_144 : vector<1024x1xi32>
    %ge3A_146 = arith.constant 43008 : i32
    %ge3A_147 = vector.broadcast %ge3A_146 : i32 to vector<1024x1xi32>
    %ge3A_148 = arith.cmpi sge, %get3A_125, %ge3A_147 : vector<1024x1xi32>
    %jit3A_149 = arith.constant 1 : i32
    %jit3A_150 = arith.constant 0 : i32
    %broadcast_in_dim3A_151 = vector.broadcast %jit3A_149 : i32 to vector<1024x1xi32>
    %broadcast_in_dim3A_152 = vector.broadcast %jit3A_150 : i32 to vector<1024x1xi32>
    %select_n3A_153 = arith.select %ge3A_148, %broadcast_in_dim3A_151, %broadcast_in_dim3A_152 : vector<1024x1xi1>, vector<1024x1xi32>
    %add3A_154 = arith.addi %add3A_145, %select_n3A_153 : vector<1024x1xi32>
    %ge3A_155 = arith.constant 57344 : i32
    %ge3A_156 = vector.broadcast %ge3A_155 : i32 to vector<1024x1xi32>
    %ge3A_157 = arith.cmpi sge, %get3A_125, %ge3A_156 : vector<1024x1xi32>
    %jit3A_158 = arith.constant 1 : i32
    %jit3A_159 = arith.constant 0 : i32
    %broadcast_in_dim3A_160 = vector.broadcast %jit3A_158 : i32 to vector<1024x1xi32>
    %broadcast_in_dim3A_161 = vector.broadcast %jit3A_159 : i32 to vector<1024x1xi32>
    %select_n3A_162 = arith.select %ge3A_157, %broadcast_in_dim3A_160, %broadcast_in_dim3A_161 : vector<1024x1xi1>, vector<1024x1xi32>
    %add3A_163 = arith.addi %add3A_154, %select_n3A_162 : vector<1024x1xi32>
    %ge3A_164 = arith.constant 71680 : i32
    %ge3A_165 = vector.broadcast %ge3A_164 : i32 to vector<1024x1xi32>
    %ge3A_166 = arith.cmpi sge, %get3A_125, %ge3A_165 : vector<1024x1xi32>
    %jit3A_167 = arith.constant 1 : i32
    %jit3A_168 = arith.constant 0 : i32
    %broadcast_in_dim3A_169 = vector.broadcast %jit3A_167 : i32 to vector<1024x1xi32>
    %broadcast_in_dim3A_170 = vector.broadcast %jit3A_168 : i32 to vector<1024x1xi32>
    %select_n3A_171 = arith.select %ge3A_166, %broadcast_in_dim3A_169, %broadcast_in_dim3A_170 : vector<1024x1xi1>, vector<1024x1xi32>
    %add3A_172 = arith.addi %add3A_163, %select_n3A_171 : vector<1024x1xi32>
    %ge3A_173 = arith.constant 86016 : i32
    %ge3A_174 = vector.broadcast %ge3A_173 : i32 to vector<1024x1xi32>
    %ge3A_175 = arith.cmpi sge, %get3A_125, %ge3A_174 : vector<1024x1xi32>
    %jit3A_176 = arith.constant 1 : i32
    %jit3A_177 = arith.constant 0 : i32
    %broadcast_in_dim3A_178 = vector.broadcast %jit3A_176 : i32 to vector<1024x1xi32>
    %broadcast_in_dim3A_179 = vector.broadcast %jit3A_177 : i32 to vector<1024x1xi32>
    %select_n3A_180 = arith.select %ge3A_175, %broadcast_in_dim3A_178, %broadcast_in_dim3A_179 : vector<1024x1xi1>, vector<1024x1xi32>
    %add3A_181 = arith.addi %add3A_172, %select_n3A_180 : vector<1024x1xi32>
    %ge3A_182 = arith.constant 100352 : i32
    %ge3A_183 = vector.broadcast %ge3A_182 : i32 to vector<1024x1xi32>
    %ge3A_184 = arith.cmpi sge, %get3A_125, %ge3A_183 : vector<1024x1xi32>
    %jit3A_185 = arith.constant 1 : i32
    %jit3A_186 = arith.constant 0 : i32
    %broadcast_in_dim3A_187 = vector.broadcast %jit3A_185 : i32 to vector<1024x1xi32>
    %broadcast_in_dim3A_188 = vector.broadcast %jit3A_186 : i32 to vector<1024x1xi32>
    %select_n3A_189 = arith.select %ge3A_184, %broadcast_in_dim3A_187, %broadcast_in_dim3A_188 : vector<1024x1xi1>, vector<1024x1xi32>
    %add3A_190 = arith.addi %add3A_181, %select_n3A_189 : vector<1024x1xi32>
    %shift_right_logical3A_191 = arith.constant 1 : i32
    %shift_right_logical3A_192 = vector.broadcast %shift_right_logical3A_191 : i32 to vector<1024x1xi32>
    %shift_right_logical3A_193 = arith.shrui %add3A_190, %shift_right_logical3A_192 : vector<1024x1xi32>
    %and3A_194 = arith.constant 1 : i32
    %and3A_195 = vector.broadcast %and3A_194 : i32 to vector<1024x1xi32>
    %and3A_196 = arith.andi %add3A_190, %and3A_195 : vector<1024x1xi32>
    %broadcast_in_dim3A_197 = arith.constant 0 : i32
    %broadcast_in_dim3A_198 = vector.broadcast %broadcast_in_dim3A_197 : i32 to vector<1024x32xi32>
    %eq3A_199 = arith.constant 0 : i32
    %eq3A_200 = vector.broadcast %eq3A_199 : i32 to vector<1024x1xi32>
    %eq3A_201 = arith.cmpi eq, %shift_right_logical3A_193, %eq3A_200 : vector<1024x1xi32>
    %slice3A_202 = vector.extract_strided_slice %get3A_122 {offsets = [0, 0], sizes = [1024, 32], strides = [1, 1]} : vector<1024x128xi32> to vector<1024x32xi32>
    %jit3A_203 = arith.constant 0 : i32
    %broadcast_in_dim3A_204 = vector.shape_cast %eq3A_201 : vector<1024x1xi1> to vector<1024x1xi1>
    %broadcast_in_dim3A_205 = vector.broadcast %broadcast_in_dim3A_204 : vector<1024x1xi1> to vector<1024x32xi1>
    %broadcast_in_dim3A_206 = vector.broadcast %jit3A_203 : i32 to vector<1024x32xi32>
    %select_n3A_207 = arith.select %broadcast_in_dim3A_205, %slice3A_202, %broadcast_in_dim3A_206 : vector<1024x32xi1>, vector<1024x32xi32>
    %add3A_208 = arith.addi %broadcast_in_dim3A_198, %select_n3A_207 : vector<1024x32xi32>
    %eq3A_209 = arith.constant 1 : i32
    %eq3A_210 = vector.broadcast %eq3A_209 : i32 to vector<1024x1xi32>
    %eq3A_211 = arith.cmpi eq, %shift_right_logical3A_193, %eq3A_210 : vector<1024x1xi32>
    %slice3A_212 = vector.extract_strided_slice %get3A_122 {offsets = [0, 32], sizes = [1024, 32], strides = [1, 1]} : vector<1024x128xi32> to vector<1024x32xi32>
    %jit3A_213 = arith.constant 0 : i32
    %broadcast_in_dim3A_214 = vector.shape_cast %eq3A_211 : vector<1024x1xi1> to vector<1024x1xi1>
    %broadcast_in_dim3A_215 = vector.broadcast %broadcast_in_dim3A_214 : vector<1024x1xi1> to vector<1024x32xi1>
    %broadcast_in_dim3A_216 = vector.broadcast %jit3A_213 : i32 to vector<1024x32xi32>
    %select_n3A_217 = arith.select %broadcast_in_dim3A_215, %slice3A_212, %broadcast_in_dim3A_216 : vector<1024x32xi1>, vector<1024x32xi32>
    %add3A_218 = arith.addi %add3A_208, %select_n3A_217 : vector<1024x32xi32>
    %eq3A_219 = arith.constant 2 : i32
    %eq3A_220 = vector.broadcast %eq3A_219 : i32 to vector<1024x1xi32>
    %eq3A_221 = arith.cmpi eq, %shift_right_logical3A_193, %eq3A_220 : vector<1024x1xi32>
    %slice3A_222 = vector.extract_strided_slice %get3A_122 {offsets = [0, 64], sizes = [1024, 32], strides = [1, 1]} : vector<1024x128xi32> to vector<1024x32xi32>
    %jit3A_223 = arith.constant 0 : i32
    %broadcast_in_dim3A_224 = vector.shape_cast %eq3A_221 : vector<1024x1xi1> to vector<1024x1xi1>
    %broadcast_in_dim3A_225 = vector.broadcast %broadcast_in_dim3A_224 : vector<1024x1xi1> to vector<1024x32xi1>
    %broadcast_in_dim3A_226 = vector.broadcast %jit3A_223 : i32 to vector<1024x32xi32>
    %select_n3A_227 = arith.select %broadcast_in_dim3A_225, %slice3A_222, %broadcast_in_dim3A_226 : vector<1024x32xi1>, vector<1024x32xi32>
    %add3A_228 = arith.addi %add3A_218, %select_n3A_227 : vector<1024x32xi32>
    %eq3A_229 = arith.constant 3 : i32
    %eq3A_230 = vector.broadcast %eq3A_229 : i32 to vector<1024x1xi32>
    %eq3A_231 = arith.cmpi eq, %shift_right_logical3A_193, %eq3A_230 : vector<1024x1xi32>
    %slice3A_232 = vector.extract_strided_slice %get3A_122 {offsets = [0, 96], sizes = [1024, 32], strides = [1, 1]} : vector<1024x128xi32> to vector<1024x32xi32>
    %jit3A_233 = arith.constant 0 : i32
    %broadcast_in_dim3A_234 = vector.shape_cast %eq3A_231 : vector<1024x1xi1> to vector<1024x1xi1>
    %broadcast_in_dim3A_235 = vector.broadcast %broadcast_in_dim3A_234 : vector<1024x1xi1> to vector<1024x32xi1>
    %broadcast_in_dim3A_236 = vector.broadcast %jit3A_233 : i32 to vector<1024x32xi32>
    %select_n3A_237 = arith.select %broadcast_in_dim3A_235, %slice3A_232, %broadcast_in_dim3A_236 : vector<1024x32xi1>, vector<1024x32xi32>
    %add3A_238 = arith.addi %add3A_228, %select_n3A_237 : vector<1024x32xi32>
    %eq3A_239 = arith.constant 1 : i32
    %eq3A_240 = vector.broadcast %eq3A_239 : i32 to vector<1024x1xi32>
    %eq3A_241 = arith.cmpi eq, %and3A_196, %eq3A_240 : vector<1024x1xi32>
    %shift_right_logical3A_242 = arith.constant 16 : i32
    %shift_right_logical3A_243 = vector.broadcast %shift_right_logical3A_242 : i32 to vector<1024x32xi32>
    %shift_right_logical3A_244 = arith.shrui %add3A_238, %shift_right_logical3A_243 : vector<1024x32xi32>
    %broadcast_in_dim3A_245 = vector.shape_cast %eq3A_241 : vector<1024x1xi1> to vector<1024x1xi1>
    %broadcast_in_dim3A_246 = vector.broadcast %broadcast_in_dim3A_245 : vector<1024x1xi1> to vector<1024x32xi1>
    %select_n3A_247 = arith.select %broadcast_in_dim3A_246, %shift_right_logical3A_244, %add3A_238 : vector<1024x32xi1>, vector<1024x32xi32>
    %shift_left3A_248 = arith.constant 16 : i32
    %shift_left3A_249 = vector.broadcast %shift_left3A_248 : i32 to vector<1024x32xi32>
    %shift_left3A_250 = arith.shli %select_n3A_247, %shift_left3A_249 : vector<1024x32xi32>
    %bitcast_convert_type3A_251 = tpu.bitcast %shift_left3A_250 : vector<1024x32xi32> -> vector<1024x32xf32>
    %convert_element_type3A_252 = arith.truncf %bitcast_convert_type3A_251 : vector<1024x32xf32> to vector<1024x32xbf16>
    %get3A_253 = arith.constant 0 : index
    %get3A_254 = arith.constant 0 : index
    %get3A_255 = vector.load %arg5[%get3A_253, %get3A_254] : memref<32x256xbf16, #tpu.memory_space<vmem>>, vector<32x256xbf16>
    %dot_general3A = arith.constant dense<0.000000e+00> : vector<1024x256xf32>
    %dot_general3A_256 = tpu.matmul %convert_element_type3A, %get3A_255, %dot_general3A {dimension_numbers = #tpu.dot_dimension_numbers<[1], [0], [0], [1], [0, 0, 1, 1], [], []>, transpose_lhs_hint = false} : vector<1024x32xbf16>, vector<32x256xbf16>, vector<1024x256xf32> -> vector<1024x256xf32>
    %get3A_257 = arith.constant 0 : index
    %get3A_258 = arith.constant 0 : index
    %get3A_259 = vector.load %arg6[%get3A_257, %get3A_258] : memref<32x256xbf16, #tpu.memory_space<vmem>>, vector<32x256xbf16>
    %dot_general3A_260 = arith.constant dense<0.000000e+00> : vector<1024x256xf32>
    %dot_general3A_261 = tpu.matmul %convert_element_type3A_252, %get3A_259, %dot_general3A_260 {dimension_numbers = #tpu.dot_dimension_numbers<[1], [0], [0], [1], [0, 0, 1, 1], [], []>, transpose_lhs_hint = false} : vector<1024x32xbf16>, vector<32x256xbf16>, vector<1024x256xf32> -> vector<1024x256xf32>
    %add3A_262 = arith.addf %dot_general3A_256, %dot_general3A_261 : vector<1024x256xf32>
    %get3A_263 = arith.constant 0 : index
    %get3A_264 = arith.constant 0 : index
    %get3A_265 = vector.load %arg7[%get3A_263, %get3A_264] : memref<1x256xf32, #tpu.memory_space<vmem>>, vector<1x256xf32>
    %add3A_266 = vector.broadcast %get3A_265 : vector<1x256xf32> to vector<1024x256xf32>
    %add3A_267 = arith.addf %add3A_262, %add3A_266 : vector<1024x256xf32>
    %max3A = arith.constant 0.000000e+00 : f32
    %max3A_268 = vector.broadcast %max3A : f32 to vector<1024x256xf32>
    %max3A_269 = arith.maximumf %add3A_267, %max3A_268 : vector<1024x256xf32>
    %get3A_270 = arith.constant 0 : index
    %get3A_271 = arith.constant 0 : index
    %get3A_272 = vector.load %arg8[%get3A_270, %get3A_271] : memref<256x64xf32, #tpu.memory_space<vmem>>, vector<256x64xf32>
    %dot_general3A_273 = arith.constant dense<0.000000e+00> : vector<1024x64xf32>
    %dot_general3A_274 = tpu.matmul %max3A_269, %get3A_272, %dot_general3A_273 {dimension_numbers = #tpu.dot_dimension_numbers<[1], [0], [0], [1], [0, 0, 1, 1], [], []>, transpose_lhs_hint = false} : vector<1024x256xf32>, vector<256x64xf32>, vector<1024x64xf32> -> vector<1024x64xf32>
    %get3A_275 = arith.constant 0 : index
    %get3A_276 = arith.constant 0 : index
    %get3A_277 = vector.load %arg9[%get3A_275, %get3A_276] : memref<1x64xf32, #tpu.memory_space<vmem>>, vector<1x64xf32>
    %add3A_278 = vector.broadcast %get3A_277 : vector<1x64xf32> to vector<1024x64xf32>
    %add3A_279 = arith.addf %dot_general3A_274, %add3A_278 : vector<1024x64xf32>
    %max3A_280 = arith.constant 0.000000e+00 : f32
    %max3A_281 = vector.broadcast %max3A_280 : f32 to vector<1024x64xf32>
    %max3A_282 = arith.maximumf %add3A_279, %max3A_281 : vector<1024x64xf32>
    %get3A_283 = arith.constant 0 : index
    %get3A_284 = arith.constant 0 : index
    %get3A_285 = vector.load %arg10[%get3A_283, %get3A_284] : memref<1x64xf32, #tpu.memory_space<vmem>>, vector<1x64xf32>
    %mul3A = vector.broadcast %get3A_285 : vector<1x64xf32> to vector<1024x64xf32>
    %mul3A_286 = arith.mulf %max3A_282, %mul3A : vector<1024x64xf32>
    %reduce_sum3A = arith.constant dense<0.000000e+00> : vector<1024xf32>
    %reduce_sum3A_287 = vector.multi_reduction <add>, %mul3A_286, %reduce_sum3A [1] : vector<1024x64xf32> to vector<1024xf32>
    %broadcast_in_dim3A_288 = vector.shape_cast %reduce_sum3A_287 : vector<1024xf32> to vector<1024x1xf32>
    %get3A_289 = arith.constant 0 : index
    %get3A_290 = arith.constant 0 : index
    %get3A_291 = vector.load %arg11[%get3A_289, %get3A_290] : memref<1x1xf32, #tpu.memory_space<vmem>>, vector<1x1xf32>
    %add3A_292 = vector.broadcast %get3A_291 : vector<1x1xf32> to vector<1024x1xf32>
    %add3A_293 = arith.addf %broadcast_in_dim3A_288, %add3A_292 : vector<1024x1xf32>
    %swap3A = arith.constant 0 : index
    %swap3A_294 = arith.constant 0 : index
    %swap3A_295 = vector.load %arg12[%swap3A, %swap3A_294] : memref<1024x1xf32, #tpu.memory_space<vmem>>, vector<1024x1xf32>
    tpu.vector_store %arg12[%swap3A, %swap3A_294], %add3A_293 {strides = array<i32>} : memref<1024x1xf32, #tpu.memory_space<vmem>>, vector<1024x1xf32>,
    return
  }
  func.func @transform_0(%arg0: i32) -> (i32, i32) {
    %c0_i32 = arith.constant 0 : i32
    %c0_i32_0 = arith.constant 0 : i32
    return %arg0, %c0_i32 : i32, i32
  }
  func.func @transform_1(%arg0: i32) -> (i32, i32) {
    %c0_i32 = arith.constant 0 : i32
    %c0_i32_0 = arith.constant 0 : i32
    return %arg0, %c0_i32 : i32, i32
  }
  func.func @transform_2(%arg0: i32) -> (i32, i32) {
    %c0_i32 = arith.constant 0 : i32
    %c0_i32_0 = arith.constant 0 : i32
    return %arg0, %c0_i32 : i32, i32
  }
  func.func @transform_3(%arg0: i32) -> (i32, i32) {
    %c0_i32 = arith.constant 0 : i32
    %c0_i32_0 = arith.constant 0 : i32
    return %arg0, %c0_i32 : i32, i32
  }
  func.func @transform_4(%arg0: i32) -> (i32, i32) {
    %c0_i32 = arith.constant 0 : i32
    %c0_i32_0 = arith.constant 0 : i32
    %c0_i32_1 = arith.constant 0 : i32
    return %c0_i32, %c0_i32_0 : i32, i32
  }
  func.func @transform_5(%arg0: i32) -> (i32, i32) {
    %c0_i32 = arith.constant 0 : i32
    %c0_i32_0 = arith.constant 0 : i32
    %c0_i32_1 = arith.constant 0 : i32
    return %c0_i32, %c0_i32_0 : i32, i32
  }
  func.func @transform_6(%arg0: i32) -> (i32, i32) {
    %c0_i32 = arith.constant 0 : i32
    %c0_i32_0 = arith.constant 0 : i32
    %c0_i32_1 = arith.constant 0 : i32
    return %c0_i32, %c0_i32_0 : i32, i32
  }
  func.func @transform_7(%arg0: i32) -> (i32, i32) {
    %c0_i32 = arith.constant 0 : i32
    %c0_i32_0 = arith.constant 0 : i32
    %c0_i32_1 = arith.constant 0 : i32
    return %c0_i32, %c0_i32_0 : i32, i32
  }
  func.func @transform_8(%arg0: i32) -> (i32, i32) {
    %c0_i32 = arith.constant 0 : i32
    %c0_i32_0 = arith.constant 0 : i32
    %c0_i32_1 = arith.constant 0 : i32
    return %c0_i32, %c0_i32_0 : i32, i32
  }
  func.func @transform_9(%arg0: i32) -> (i32, i32) {
    %c0_i32 = arith.constant 0 : i32
    %c0_i32_0 = arith.constant 0 : i32
    %c0_i32_1 = arith.constant 0 : i32
    return %c0_i32, %c0_i32_0 : i32, i32
  }
  func.func @transform_10(%arg0: i32) -> (i32, i32) {
    %c0_i32 = arith.constant 0 : i32
    %c0_i32_0 = arith.constant 0 : i32
    %c0_i32_1 = arith.constant 0 : i32
    return %c0_i32, %c0_i32_0 : i32, i32
  }
  func.func @transform_11(%arg0: i32) -> (i32, i32) {
    %c0_i32 = arith.constant 0 : i32
    %c0_i32_0 = arith.constant 0 : i32
    return %arg0, %c0_i32 : i32, i32
  }
}

</mosaic_0001>

<sc_bundles>
// kernel: kernel.10.cloned.1.call-start
scs
__scs_entry_jumppad:
0x0: {  	(pc) =	sbr.rel $0x88, $3  }
0x1: {  	(tag) =	ssettag $0x0;
	lr =	simm.s32 $0x1  }
0x2: {  	[smem:$0x3F97] =	sst lr;
	_ =	strace $0xD0000000  }
0x3: {  	_ = 	snop  }
0x4: {  	_ = 	snop  }
0x5: {  	_ = 	snop  }
0x6: {  	_ = 	snop  }
0x7: {  	_ = 	snop  }
__scs_overlays_trampoline_lowered:
0x8: {  	[smem:$0x3FA6] =	sst s0  }
0x9: {  	[smem:$0x3FA7] =	sst s1  }
0xa: {  	[smem:$0x3FA8] =	sst s2  }
0xb: {  	[smem:$0x3FA9] =	sst s3  }
0xc: {  	[smem:$0x3FAA] =	sst s4  }
0xd: {  	[smem:$0x3FAB] =	sst s5  }
0xe: {  	[smem:$0x3FAC] =	sst s6  }
0xf: {  	[smem:$0x3FAD] =	sst s7  }
0x10: {  	[smem:$0x3FAE] =	sst s8  }
0x11: {  	[smem:$0x3FAF] =	sst s9;
	s0 =	simm.s32 @!p0 $0x0  }
0x12: {  	s1 =	sld [smem:$0x3F95];
	s0 =	simm.s32 @p0 $0x1  }
0x13: {  	[smem:$0x3FB0] =	sst s0;
	s0 =	simm.s32 @!p1 $0x0  }
0x14: {  	s2 =	sld [smem:$0x3F94];
	s0 =	simm.s32 @p1 $0x1  }
0x15: {  	[smem:$0x3FB1] =	sst s0;
	s0 =	simm.s32 @!p2 $0x0  }
0x16: {  	s3 =	sld [smem:$0x3FDB];
	s0 =	simm.s32 @p2 $0x1  }
0x17: {  	s4 =	simm.s32 $0x1BF5;
	[smem:$0x3FB3] =	sst s0  }
0x18: {  	s0 =	sld [smem:$0x3F96];
	_ =	swait.ge [sflag:s4], $0x0  }
0x19: {  	s7 =	sld [smem:$0x3F97]  }
0x1a: {  	s8 =	sadd.s32 $0xFFFFE003, lr  }
0x1b: {  	s9 =	sadd.s32 $0xFFFFFEF7, lr;
	s5 =	simm.s32 $0xFFFFFFFF;
	p2 =	slt.u32 s8, $0xFFFFF086  }
0x1c: {  	p1 =	slt.u32 s9, $0xF7A;
	s5 =	simm.s32 @!p2 $0x0  }
0x1d: {  	s5 =	simm.s32 @p1 $0x1;
	p0 =	seq.s32 s7, s2  }
0x1e: {  	s7 =	smul.u32 @!p0 $0xF7A, s2;
	p2 =	seq.s32 @!p0 s5, $0x0  }
0x1f: {  	s9 =	smul.u32 $0xF7A, s1;
	s8 =	simm.s32 @!p0 $0x1BF5;
	p2 =	por !p2, p0  }
0x20: {  	[sflag:s8] =	ssyncset.s32 @!p0 $0xFFFFF086;
	s6 =	sadd.s32 @!p0 s3, s7;
	s7 =	simm.s32 @!p0 $0x108  }
0x21: {  	s3 =	sadd.s32 s3, s9;
	s6 =	sadd.s32 @!p0 $0x88, s6;
	s7 =	simm.s32 @p2 $0x1082  }
0x22: {  	[simem:s7], [sflag:s8] =	dma.local @!p0 [hbm:s6], $0xF7A  }
0x23: {  	s9 =	sor.u32 $0xD0000000, s2;
	s6 =	simm.s32 $0x108;
	_ =	swait.ge @!p0 [sflag:s8], $0x0  }
0x24: {  	s3 =	sadd.s32 $0x88, s3;
	s6 =	simm.s32 @!p1 $0x1082;
	[sflag:s4] =	ssyncset.s32 $0xFFFFF086  }
0x25: {  	[simem:s6], [sflag:s4] =	dma.local [hbm:s3], $0xF7A  }
0x26: {  	[smem:$0x3F97] =	sst s1;
	(tag) =	ssettag s2;
	_ =	strace s9  }
0x27: {  	s1 =	sld [smem:$0x3FA7]  }
0x28: {  	s2 =	sld [smem:$0x3FA8]  }
0x29: {  	s4 =	sld [smem:$0x3FAA]  }
0x2a: {  	p0 =	seq.s32 s5, $0x0;
	s5 =	sld [smem:$0x3FAB]  }
0x2b: {  	s6 =	sld [smem:$0x3FAC]  }
0x2c: {  	s7 =	sld [smem:$0x3FAD]  }
0x2d: {  	s3 =	simm.s32 $0x108;
	s8 =	sld [smem:$0x3FAE]  }
0x2e: {  	s3 =	simm.s32 @!p0 $0x1082;
	s9 =	sld [smem:$0x3FAF]  }
0x2f: {  	lr =	sadd.s32 s0, s3;
	s0 =	sld [smem:$0x3FA6]  }
0x30: {  	s3 =	sld [smem:$0x3FA9]  }
0x31: {  	[smem:$0x3FB2] =	sst s10  }
0x32: {  	s10 =	sld [smem:$0x3FB0];
	_ =	sdelay $0x3  }
0x33: {  	p0 =	seq.s32 s10, $0x1;
	s10 =	sld [smem:$0x3FB2];
	_ =	sdelay $0x3  }
0x34: {  	[smem:$0x3FB2] =	sst s10  }
0x35: {  	s10 =	sld [smem:$0x3FB1];
	_ =	sdelay $0x3  }
0x36: {  	p1 =	seq.s32 s10, $0x1;
	s10 =	sld [smem:$0x3FB2];
	_ =	sdelay $0x3  }
0x37: {  	[smem:$0x3FB2] =	sst s10  }
0x38: {  	s10 =	sld [smem:$0x3FB3]  }
0x39: {  	_ = 	snop;
	(pc) =	sbr.ind lr, $3  }
0x3a: {  	_ = 	snop  }
0x3b: {  	_ = 	snop  }
0x3c: {  	p2 =	seq.s32 s10, $0x1;
	s10 =	sld [smem:$0x3FB2]  }
0x3d: {  	_ =	shalt  }
0x3e: {  	_ =	shalt  }
0x3f: {  	_ =	shalt  }
0x40: {  	_ =	shalt  }
0x41: {  	_ =	shalt  }
0x42: {  	_ =	shalt  }
0x43: {  	_ =	shalt  }
0x44: {  	_ =	shalt  }
0x45: {  	_ =	shalt  }
0x46: {  	_ =	shalt  }
0x47: {  	_ =	shalt  }
0x48: {  	_ =	shalt  }
0x49: {  	_ =	shalt  }
0x4a: {  	_ =	shalt  }
0x4b: {  	_ =	shalt  }
0x4c: {  	_ =	shalt  }
0x4d: {  	_ =	shalt  }
0x4e: {  	_ =	shalt  }
0x4f: {  	_ =	shalt  }
0x50: {  	_ =	shalt  }
0x51: {  	_ =	shalt  }
0x52: {  	_ =	shalt  }
0x53: {  	_ =	shalt  }
0x54: {  	_ =	shalt  }
0x55: {  	_ =	shalt  }
0x56: {  	_ =	shalt  }
0x57: {  	_ =	shalt  }
0x58: {  	_ =	shalt  }
0x59: {  	_ =	shalt  }
0x5a: {  	_ =	shalt  }
0x5b: {  	_ =	shalt  }
0x5c: {  	_ =	shalt  }
0x5d: {  	_ =	shalt  }
0x5e: {  	_ =	shalt  }
0x5f: {  	_ =	shalt  }
0x60: {  	_ =	shalt  }
0x61: {  	_ =	shalt  }
0x62: {  	_ =	shalt  }
0x63: {  	_ =	shalt  }
0x64: {  	_ =	shalt  }
0x65: {  	_ =	shalt  }
0x66: {  	_ =	shalt  }
0x67: {  	_ =	shalt  }
0x68: {  	_ =	shalt  }
0x69: {  	_ =	shalt  }
0x6a: {  	_ =	shalt  }
0x6b: {  	_ =	shalt  }
0x6c: {  	_ =	shalt  }
0x6d: {  	_ =	shalt  }
0x6e: {  	_ =	shalt  }
0x6f: {  	_ =	shalt  }
0x70: {  	_ =	shalt  }
0x71: {  	_ =	shalt  }
0x72: {  	_ =	shalt  }
0x73: {  	_ =	shalt  }
0x74: {  	_ =	shalt  }
0x75: {  	_ =	shalt  }
0x76: {  	_ =	shalt  }
0x77: {  	_ =	shalt  }
0x78: {  	_ =	shalt  }
0x79: {  	_ =	shalt  }
0x7a: {  	_ =	shalt  }
0x7b: {  	_ =	shalt  }
0x7c: {  	_ =	shalt  }
0x7d: {  	_ =	shalt  }
0x7e: {  	_ =	shalt  }
0x7f: {  	_ =	shalt  }
0x80: {  	_ =	shalt  }
0x81: {  	_ =	shalt  }
0x82: {  	_ =	shalt  }
0x83: {  	_ =	shalt  }
0x84: {  	_ =	shalt  }
0x85: {  	_ =	shalt  }
0x86: {  	_ =	shalt  }
0x87: {  	_ =	shalt  }
.Lfunc_end0:
.L_simem_size_0:
called_computation.1_lowered:
.L_overlay_start_0:
0x88: {  	s2 =	sld [smem:$0x3FD9]  }
0x89: {  	s3 =	sld [smem:$0x3FFE];
	_ =	sdelay $0x1  }
0x8a: {  	s1 =	srdreg.scid  }
0x8b: {  	s0 =	sand.u32 $0x1, s1  }
0x8c: {  	s17 =	sshll.u32 s0, $0xA;
	s2 =	sadd.s32 s3, s2  }
0x8d: {  	s2 =	sadd.s32 s2, s17  }
0x8e: {  	[smem:$0x3FBE] =	sst s2  }
0x8f: {  	_ = 	snop  }
0x90: {  	s2 =	sld [smem:$0x3FC9];
	(tm) =	ssettm $0x1  }
0x91: {  	s18 =	sld [smem:$0x3FFB];
	_ =	sdelay $0x3  }
0x92: {  	_ =	strace s18  }
0x93: {  	s3 =	sld [smem:$0x3FFC];
	_ =	sdelay $0x3  }
0x94: {  	_ =	strace s3  }
0x95: {  	s3 =	sld [smem:$0x3FFD];
	_ =	sdelay $0x3  }
0x96: {  	_ =	strace s3  }
0x97: {  	_ =	strace $0x8FFFFFFF  }
0x98: {  	s19 =	sld [smem:$0x3FDB];
	_ =	sdelay $0x1  }
0x99: {  	s4 =	simm.s32 $_scs_section_size  }
0x9a: {  	s5 =	simm.s32 $_size__tile_overlayer_lowered;
	s6 =	simm.s32 $_tile_overlayer_lowered  }
0x9b: {  	s22 =	simm.s32 $0x1BFF;
	s21 =	sshll.u32 s6, $0x1;
	s3 =	sadd.s32 s4, s19  }
0x9c: {  	s7 =	simm.s32 $0x0;
	s20 =	sshll.u32 s5, $0x1;
	s5 =	sadd.s32 s21, s3  }
0x9d: {  	[timem:s7], [sflag:s22] =	dma.local [hbm:s5], s20  }
0x9e: {  	_ =	swait.ge [sflag:s22], s20  }
0x9f: {  	s4 =	ssub.s32 $0x0, s20;
	[sflag:s22] =	ssyncset.done $0x0  }
0xa0: {  	[sflag:s22] =	ssyncadd.s32 s4;
	_ =	sdelay $0x1  }
0xa1: {  	s23 =	simm.s32 $0x1B8B  }
0xa2: {  	_ =	swait.ge [sflag:s23], $0x1  }
0xa3: {  	[sflag:s23] =	ssyncset.done $0x0  }
0xa4: {  	s25 =	simm.s32 $0x1B8E;
	s24 =	sld [smem:$0x3FFE];
	[sflag:s23] =	ssyncadd.s32 $0xFFFFFFFF  }
0xa5: {  	s26 =	simm.s32 $execute0_lowered;
	[smem:$0x3FD2] =	sst s25  }
0xa6: {  	s5 =	sshll.u32 s26, $0x1;
	_ =	strace $0x80000046;
	[dreg:$0x1] =	wrdreg $0xFFFFFFFF  }
0xa7: {  	s28 =	simm.s32 $_size_execute0_lowered;
	s3 =	sadd.s32 s3, s5;
	[dreg:$0x0] =	wrdreg $0x0  }
0xa8: {  	s5 =	sshll.u32 s28, $0x1;
	[dreg:$0x2] =	wrdreg s3  }
0xa9: {  	[dreg:$0x3] =	wrdreg s5  }
0xaa: {  	[dreg:$0x4] =	wrdreg $0xC0  }
0xab: {  	_ =	task [dreg:s7], $0x5FFFF  }
0xac: {  	[dreg:$0x1] =	wrdreg $0xFFFFFFFF  }
0xad: {  	[dreg:$0x0] =	wrdreg $0x60  }
0xae: {  	[dreg:$0x2] =	wrdreg s2  }
0xaf: {  	[dreg:$0x3] =	wrdreg s24  }
0xb0: {  	[dreg:$0x4] =	wrdreg $0xA  }
0xb1: {  	_ =	task.clear_ibuf [dreg:s7], $0x5FFFF;
	_ =	strace $0x90000046  }
0xb2: {  	s29 =	simm.s32 $0xA;
	_ =	strace $0x80000048  }
0xb3: {  	_ =	swait.ge [sflag:s29], $0x1  }
0xb4: {  	[sflag:s29] =	ssyncadd.s32 $0xFFFFFFFF  }
0xb5: {  	_ =	strace $0x90000048  }
0xb6: {  	_ =	sfence  }
0xb7: {  	s30 =	sld [smem:$0x0];
	_ =	sdelay $0x2  }
0xb8: {  	s31 =	sshll.u32 s1, $0xD;
	s1 =	sshrl.u32 s1, $0x2  }
0xb9: {  	s3 =	sand.u32 $0x4000, s31;
	s1 =	sadd.s32 s1, s30  }
0xba: {  	s0 =	sor.u32 s3, s0;
	s1 =	sshll.u32 s1, $0x11  }
0xbb: {  	s0 =	sor.u32 s1, s0  }
0xbc: {  	s0 =	sadd.s32 $0x8F2B, s0  }
0xbd: {  	[sflag:s0] =	ssyncadd.remote.s32 $0x1  }
0xbe: {  	_ =	sfence.sel $0xFFFF  }
0xbf: {  	[dreg:$0x0] =	wrdreg $0xFFFFFFFF;
	(pc) =	sbr.abs _section_cstart, $3  }
0xc0: {  	[dreg:$0x1] =	wrdreg $0xFFFFFFFF  }
0xc1: {  	_ =	task.clear_ibuf [dreg:s7], $0x2FFFF;
	_ =	strace $0x9FFFFFFF  }
0xc2: {  	(tm) =	ssettm $0x7FFFFFFF  }
0xc3: {  	_ =	shalt  }
tec
execute0_lowered:
.L_overlay_start_1:
0x0: {  	(tag) =	ssettag $0x1  }
0x1: {  	s4 =	rddreg [dreg:$0x0]  }
0x2: {  	s5 =	rddreg [dreg:$0x1]  }
0x3: {  	s0 =	rddreg [dreg:$0x2]  }
0x4: {  	s3 =	srdreg.scid;
	s2 =	simm.s32 $0x0;
	s1 =	stileid.u32  }
0x5: {  	s9 =	simm.s32 $0x400;
	s10 =	simm.s32 $0x1;
	s11 =	simm.s32 $0x0  }
0x6: {  	s6 =	sand.u32 $0x1, s3;
	[smem:$0x7FF] =	sst s2;
	s30 =	sshll.u32 s1, $0xA  }
0x7: {  	s3 =	sadd.s32 $0x2C00, s5;
	s7 =	sshll.u32 s6, $0x9;
	s6 =	ssub.s32 $0x2, s6  }
0x8: {  	_ =	strace $0x80000047;
	s7 =	sor.u32 s7, s30;
	s31 =	sshrl.u32 s6, $0x1  }
0x9: {  	s8 =	sshll.u32 s7, $0x4;
	s7 =	sshrl.u32 s7, $0x3;
	s6 =	ssub.s32 s6, s31  }
0xa: {  	s5 =	sadd.s32 s8, s5;
	s4 =	sadd.s32 s4, s7;
	s6 =	smax.u32 s6, $0x1  }
0xb: {  	v0 =	vimm.s32 $0x0;
	s7 =	simm.s32 $0x2;
	s8 =	simm.s32 $0x200;
	s5 =	sadd.s32 $0x1F2C00, s5  }
.LBB2_1:
0xc: {  	[tilespmem:s2], [sflag:$0x2] =	stream.linear.gather [hbm4b:s4+s2], $0x200, $0x38;
	[tilespmem:$0x10400] =	vst v63  }
0xd: {  	_ =	swait.ge [sflag:s7], $0x200  }
0xe: {  	[sflag:s7] =	ssyncset.done $0x0  }
0xf: {  	s12 =	simm.s32 $0x0;
	[sflag:s7] =	ssyncadd.s32 $0xFFFFFE00  }
0x10: {  	v3 =	vld [tilespmem:s12+$0x0];
	_ =	sdelay $0x4  }
0x11: {  	vm0 =	vgt.s32 v3, $0x1EFFF;
	vm1 =	vgt.s32 v3, $0x3DFFF  }
0x12: {  	s13 =	simm.s32 $0x10;
	v2 =	vsel vm0, $0x1, v0;
	v4 =	vsel vm1, $0x1, v0;
	vm0 =	vgt.s32 v3, $0x5CFFF  }
0x13: {  	v1 =	vld [tilespmem:s13+$0x0];
	vm1 =	vgt.s32 v3, $0x7BFFF;
	v2 =	vadd.s32 v4, v2;
	v4 =	vsel vm0, $0x1, v0  }
0x14: {  	vm0 =	vgt.s32 v3, $0x9AFFF;
	v2 =	vadd.s32 v4, v2;
	v4 =	vsel vm1, $0x1, v0  }
0x15: {  	v2 =	vadd.s32 v4, v2;
	v4 =	vsel vm0, $0x1, v0;
	vm0 =	vgt.s32 v3, $0xB9FFF  }
0x16: {  	v2 =	vadd.s32 v4, v2;
	v4 =	vsel vm0, $0x1, v0;
	vm0 =	vgt.s32 v3, $0xD8FFF  }
0x17: {  	v2 =	vadd.s32 v4, v2;
	v4 =	vsel vm0, $0x1, v0  }
0x18: {  	vm2 =	vgt.s32 v1, $0x3DFFF;
	v2 =	vadd.s32 v4, v2  }
0x19: {  	v5 =	vsel vm2, $0x1, v0;
	vm1 =	vgt.s32 v1, $0x1EFFF;
	v6 =	vmul.u32 $0xFFFE1000, v2  }
0x1a: {  	s14 =	simm.s32 $0x20;
	vm0 =	vgt.s32 v1, $0x7BFFF;
	v4 =	vsel vm1, $0x1, v0;
	vm1 =	vgt.s32 v1, $0x5CFFF  }
0x1b: {  	s15 =	simm.s32 $0xC0;
	v2 =	vld [tilespmem:s14+$0x0];
	v4 =	vadd.s32 v5, v4;
	v5 =	vsel vm1, $0x1, v0;
	v3 =	vadd.s32 v3, v6  }
.LBB2_2:
0x1c: {  	p0 =	sne.s32 s15, $0x7C0;
	v4 =	vadd.s32 v5, v4;
	v5 =	vsel vm0, $0x1, v0;
	vm0 =	vgt.s32 v1, $0x9AFFF;
	[tilespmem:s12+$0x200] =	vst v3;
	s12 =	smov.u32 s13;
	s13 =	smov.u32 s14  }
0x1d: {  	v3 =	vadd.s32 v5, v4;
	v4 =	vsel vm0, $0x1, v0;
	vm0 =	vgt.s32 v1, $0xB9FFF  }
0x1e: {  	v3 =	vadd.s32 v4, v3;
	v4 =	vsel vm0, $0x1, v0;
	vm0 =	vgt.s32 v1, $0xD8FFF  }
.Ltmp0:
0x1f: {  	v3 =	vadd.s32 v4, v3;
	v4 =	vsel vm0, $0x1, v0;
	(pc) =	sbr.rel @p0 .LBB2_2-.Ltmp0, $4  }
0x20: {  	vm0 =	vgt.s32 v2, $0x7BFFF;
	v3 =	vadd.s32 v4, v3  }
0x21: {  	vm1 =	vgt.s32 v2, $0x1EFFF;
	vm2 =	vgt.s32 v2, $0x3DFFF;
	v3 =	vmul.u32 $0xFFFE1000, v3  }
0x22: {  	s14 =	sshra.s32 s15, $0x2;
	v4 =	vsel vm1, $0x1, v0;
	v5 =	vsel vm2, $0x1, v0;
	vm1 =	vgt.s32 v2, $0x5CFFF  }
0x23: {  	s15 =	sadd.s32 $0x40, s15;
	v4 =	vadd.s32 v5, v4;
	v5 =	vsel vm1, $0x1, v0;
	v3 =	vadd.s32 v1, v3;
	v1 =	vmovc v2;
	v2 =	vld [tilespmem:s14+$0x0]  }
0x24: {  	v4 =	vadd.s32 v5, v4  }
0x25: {  	v54 =	vsel vm0, $0x1, v0;
	vm7 =	vgt.s32 v1, $0x9AFFF;
	vm8 =	vgt.s32 v1, $0xB9FFF  }
0x26: {  	vm9 =	vgt.s32 v1, $0xD8FFF;
	v4 =	vadd.s32 v54, v4;
	v55 =	vsel vm7, $0x1, v0  }
0x27: {  	v56 =	vsel vm8, $0x1, v0;
	v57 =	vsel vm9, $0x1, v0;
	v4 =	vadd.s32 v55, v4  }
0x28: {  	v4 =	vadd.s32 v56, v4;
	vm10 =	vgt.s32 v2, $0x1EFFF;
	vm1 =	vgt.s32 v2, $0x3DFFF  }
0x29: {  	vm11 =	vgt.s32 v2, $0x5CFFF;
	v6 =	vsel vm10, $0x1, v0;
	v7 =	vsel vm1, $0x1, v0  }
0x2a: {  	vm12 =	vgt.s32 v2, $0x7BFFF;
	v58 =	vsel vm11, $0x1, v0;
	v6 =	vadd.s32 v7, v6  }
0x2b: {  	vm13 =	vgt.s32 v2, $0x9AFFF;
	v59 =	vsel vm12, $0x1, v0;
	v6 =	vadd.s32 v58, v6  }
0x2c: {  	vm14 =	vgt.s32 v2, $0xB9FFF;
	v60 =	vsel vm13, $0x1, v0;
	v6 =	vadd.s32 v59, v6  }
0x2d: {  	vm15 =	vgt.s32 v2, $0xD8FFF;
	v61 =	vsel vm14, $0x1, v0;
	v6 =	vadd.s32 v60, v6  }
0x2e: {  	v4 =	vadd.s32 v57, v4;
	v63 =	vsel vm15, $0x1, v0;
	v62 =	vadd.s32 v61, v6  }
0x2f: {  	v4 =	vmul.u32 $0xFFFE1000, v4;
	v5 =	vadd.s32 v63, v62  }
0x30: {  	v5 =	vmul.u32 $0xFFFE1000, v5  }
0x31: {  	[tilespmem:s12+$0x200] =	vst v3;
	v1 =	vadd.s32 v1, v4  }
0x32: {  	[tilespmem:s13+$0x200] =	vst v1;
	v1 =	vadd.s32 v2, v5  }
0x33: {  	[tilespmem:s14+$0x200] =	vst v1  }
0x34: {  	[tilespmem:s9], [sflag:$0x1] =	stream.indirect.gather [hbm4b:s3+s8], $0x80, s8, s8, $0xb8;
	[tilespmem:$0x10400] =	vst v63  }
0x35: {  	s11 =	sadd.s32 $0x1, s11;
	_ =	swait.ge [sflag:s10], $0x10000  }
0x36: {  	p0 =	sne.s32 s11, s6;
	[sflag:s10] =	ssyncset.done $0x0  }
.Ltmp1:
0x37: {  	[sflag:s10] =	ssyncadd.s32 $0xFFFF0000;
	(pc) =	sbr.rel @p0 .LBB2_1-.Ltmp1, $4  }
0x38: {  	[hbm4b:s5+s2] =	stream.linear.scatter [tilespmem:s9], [sflag:$0x2], $0x10000, $0x38;
	[tilespmem:$0x10400] =	vst v63  }
0x39: {  	_ =	swait.ge [sflag:s7], $0x10000  }
0x3a: {  	[sflag:s7] =	ssyncset.done $0x0  }
0x3b: {  	[sflag:s7] =	ssyncadd.s32 $0xFFFF0000  }
0x3c: {  	_ =	sfence.sel $0x180000  }
0x3d: {  	[bflag:$0x0] =	sbarrier.arrive $0xFFFF  }
0x3e: {  	p0 =	sne.s32 s1, $0x0;
	_ =	strace $0x90000047  }
0x3f: {  	s0 =	sadd.s32 @!p0 $0x100000, s0;
	[bflag:$0x2] =	sbarrier.arrive $0xFFFF  }
0x40: {  	[sflag:s0] =	ssyncadd.tile.s32 @!p0 $0x1;
	_ =	shalt  }
.Lfunc_end2:
_tile_overlayer_lowered:
.L_overlay_start_2:
0x41: {  	(tag) =	ssettag $0x2  }
0x42: {  	s0 =	rddreg [dreg:$0x0];
	s2 =	stileid.u32  }
0x43: {  	s1 =	rddreg [dreg:$0x1];
	p0 =	sne.s32 s2, $0x0  }
0x44: {  	s3 =	rddreg [dreg:$0x2];
	[bflag:$0x3] =	sbarrier.arrive $0xFFFF;
	s2 =	simm.s32 @!p0 $0x1C02  }
0x45: {  	[timem:s3], [sflag:s2] =	dma.local @!p0 [hbm:s0], s1  }
0x46: {  	s0 =	simm.s32 @!p0 $0x2  }
0x47: {  	_ =	swait.ge @!p0 [sflag:s0], s1  }
0x48: {  	s1 =	ssub.s32 @!p0 $0x0, s1;
	[sflag:s0] =	ssyncset.done @!p0 $0x0  }
0x49: {  	[sflag:s0] =	ssyncadd.s32 @!p0 s1  }
0x4a: {  	[bflag:$0x3] =	sbarrier.arrive $0xFFFF  }
0x4b: {  	_ =	shalt  }

// kernel: kernel.7.cloned.1.call-start
scs
__scs_entry_jumppad:
0x0: {  	(pc) =	sbr.rel $0x88, $3  }
0x1: {  	(tag) =	ssettag $0x0;
	lr =	simm.s32 $0x1  }
0x2: {  	[smem:$0x3F97] =	sst lr;
	_ =	strace $0xD0000000  }
0x3: {  	_ = 	snop  }
0x4: {  	_ = 	snop  }
0x5: {  	_ = 	snop  }
0x6: {  	_ = 	snop  }
0x7: {  	_ = 	snop  }
__scs_overlays_trampoline_lowered:
0x8: {  	[smem:$0x3FA6] =	sst s0  }
0x9: {  	[smem:$0x3FA7] =	sst s1  }
0xa: {  	[smem:$0x3FA8] =	sst s2  }
0xb: {  	[smem:$0x3FA9] =	sst s3  }
0xc: {  	[smem:$0x3FAA] =	sst s4  }
0xd: {  	[smem:$0x3FAB] =	sst s5  }
0xe: {  	[smem:$0x3FAC] =	sst s6  }
0xf: {  	[smem:$0x3FAD] =	sst s7  }
0x10: {  	[smem:$0x3FAE] =	sst s8  }
0x11: {  	[smem:$0x3FAF] =	sst s9;
	s0 =	simm.s32 @!p0 $0x0  }
0x12: {  	s1 =	sld [smem:$0x3F95];
	s0 =	simm.s32 @p0 $0x1  }
0x13: {  	[smem:$0x3FB0] =	sst s0;
	s0 =	simm.s32 @!p1 $0x0  }
0x14: {  	s2 =	sld [smem:$0x3F94];
	s0 =	simm.s32 @p1 $0x1  }
0x15: {  	[smem:$0x3FB1] =	sst s0;
	s0 =	simm.s32 @!p2 $0x0  }
0x16: {  	s3 =	sld [smem:$0x3FDB];
	s0 =	simm.s32 @p2 $0x1  }
0x17: {  	s4 =	simm.s32 $0x1BF5;
	[smem:$0x3FB3] =	sst s0  }
0x18: {  	s0 =	sld [smem:$0x3F96];
	_ =	swait.ge [sflag:s4], $0x0  }
0x19: {  	s7 =	sld [smem:$0x3F97]  }
0x1a: {  	s8 =	sadd.s32 $0xFFFFE003, lr  }
0x1b: {  	s9 =	sadd.s32 $0xFFFFFEF7, lr;
	s5 =	simm.s32 $0xFFFFFFFF;
	p2 =	slt.u32 s8, $0xFFFFF086  }
0x1c: {  	p1 =	slt.u32 s9, $0xF7A;
	s5 =	simm.s32 @!p2 $0x0  }
0x1d: {  	s5 =	simm.s32 @p1 $0x1;
	p0 =	seq.s32 s7, s2  }
0x1e: {  	s7 =	smul.u32 @!p0 $0xF7A, s2;
	p2 =	seq.s32 @!p0 s5, $0x0  }
0x1f: {  	s9 =	smul.u32 $0xF7A, s1;
	s8 =	simm.s32 @!p0 $0x1BF5;
	p2 =	por !p2, p0  }
0x20: {  	[sflag:s8] =	ssyncset.s32 @!p0 $0xFFFFF086;
	s6 =	sadd.s32 @!p0 s3, s7;
	s7 =	simm.s32 @!p0 $0x108  }
0x21: {  	s3 =	sadd.s32 s3, s9;
	s6 =	sadd.s32 @!p0 $0x88, s6;
	s7 =	simm.s32 @p2 $0x1082  }
0x22: {  	[simem:s7], [sflag:s8] =	dma.local @!p0 [hbm:s6], $0xF7A  }
0x23: {  	s9 =	sor.u32 $0xD0000000, s2;
	s6 =	simm.s32 $0x108;
	_ =	swait.ge @!p0 [sflag:s8], $0x0  }
0x24: {  	s3 =	sadd.s32 $0x88, s3;
	s6 =	simm.s32 @!p1 $0x1082;
	[sflag:s4] =	ssyncset.s32 $0xFFFFF086  }
0x25: {  	[simem:s6], [sflag:s4] =	dma.local [hbm:s3], $0xF7A  }
0x26: {  	[smem:$0x3F97] =	sst s1;
	(tag) =	ssettag s2;
	_ =	strace s9  }
0x27: {  	s1 =	sld [smem:$0x3FA7]  }
0x28: {  	s2 =	sld [smem:$0x3FA8]  }
0x29: {  	s4 =	sld [smem:$0x3FAA]  }
0x2a: {  	p0 =	seq.s32 s5, $0x0;
	s5 =	sld [smem:$0x3FAB]  }
0x2b: {  	s6 =	sld [smem:$0x3FAC]  }
0x2c: {  	s7 =	sld [smem:$0x3FAD]  }
0x2d: {  	s3 =	simm.s32 $0x108;
	s8 =	sld [smem:$0x3FAE]  }
0x2e: {  	s3 =	simm.s32 @!p0 $0x1082;
	s9 =	sld [smem:$0x3FAF]  }
0x2f: {  	lr =	sadd.s32 s0, s3;
	s0 =	sld [smem:$0x3FA6]  }
0x30: {  	s3 =	sld [smem:$0x3FA9]  }
0x31: {  	[smem:$0x3FB2] =	sst s10  }
0x32: {  	s10 =	sld [smem:$0x3FB0];
	_ =	sdelay $0x3  }
0x33: {  	p0 =	seq.s32 s10, $0x1;
	s10 =	sld [smem:$0x3FB2];
	_ =	sdelay $0x3  }
0x34: {  	[smem:$0x3FB2] =	sst s10  }
0x35: {  	s10 =	sld [smem:$0x3FB1];
	_ =	sdelay $0x3  }
0x36: {  	p1 =	seq.s32 s10, $0x1;
	s10 =	sld [smem:$0x3FB2];
	_ =	sdelay $0x3  }
0x37: {  	[smem:$0x3FB2] =	sst s10  }
0x38: {  	s10 =	sld [smem:$0x3FB3]  }
0x39: {  	_ = 	snop;
	(pc) =	sbr.ind lr, $3  }
0x3a: {  	_ = 	snop  }
0x3b: {  	_ = 	snop  }
0x3c: {  	p2 =	seq.s32 s10, $0x1;
	s10 =	sld [smem:$0x3FB2]  }
0x3d: {  	_ =	shalt  }
0x3e: {  	_ =	shalt  }
0x3f: {  	_ =	shalt  }
0x40: {  	_ =	shalt  }
0x41: {  	_ =	shalt  }
0x42: {  	_ =	shalt  }
0x43: {  	_ =	shalt  }
0x44: {  	_ =	shalt  }
0x45: {  	_ =	shalt  }
0x46: {  	_ =	shalt  }
0x47: {  	_ =	shalt  }
0x48: {  	_ =	shalt  }
0x49: {  	_ =	shalt  }
0x4a: {  	_ =	shalt  }
0x4b: {  	_ =	shalt  }
0x4c: {  	_ =	shalt  }
0x4d: {  	_ =	shalt  }
0x4e: {  	_ =	shalt  }
0x4f: {  	_ =	shalt  }
0x50: {  	_ =	shalt  }
0x51: {  	_ =	shalt  }
0x52: {  	_ =	shalt  }
0x53: {  	_ =	shalt  }
0x54: {  	_ =	shalt  }
0x55: {  	_ =	shalt  }
0x56: {  	_ =	shalt  }
0x57: {  	_ =	shalt  }
0x58: {  	_ =	shalt  }
0x59: {  	_ =	shalt  }
0x5a: {  	_ =	shalt  }
0x5b: {  	_ =	shalt  }
0x5c: {  	_ =	shalt  }
0x5d: {  	_ =	shalt  }
0x5e: {  	_ =	shalt  }
0x5f: {  	_ =	shalt  }
0x60: {  	_ =	shalt  }
0x61: {  	_ =	shalt  }
0x62: {  	_ =	shalt  }
0x63: {  	_ =	shalt  }
0x64: {  	_ =	shalt  }
0x65: {  	_ =	shalt  }
0x66: {  	_ =	shalt  }
0x67: {  	_ =	shalt  }
0x68: {  	_ =	shalt  }
0x69: {  	_ =	shalt  }
0x6a: {  	_ =	shalt  }
0x6b: {  	_ =	shalt  }
0x6c: {  	_ =	shalt  }
0x6d: {  	_ =	shalt  }
0x6e: {  	_ =	shalt  }
0x6f: {  	_ =	shalt  }
0x70: {  	_ =	shalt  }
0x71: {  	_ =	shalt  }
0x72: {  	_ =	shalt  }
0x73: {  	_ =	shalt  }
0x74: {  	_ =	shalt  }
0x75: {  	_ =	shalt  }
0x76: {  	_ =	shalt  }
0x77: {  	_ =	shalt  }
0x78: {  	_ =	shalt  }
0x79: {  	_ =	shalt  }
0x7a: {  	_ =	shalt  }
0x7b: {  	_ =	shalt  }
0x7c: {  	_ =	shalt  }
0x7d: {  	_ =	shalt  }
0x7e: {  	_ =	shalt  }
0x7f: {  	_ =	shalt  }
0x80: {  	_ =	shalt  }
0x81: {  	_ =	shalt  }
0x82: {  	_ =	shalt  }
0x83: {  	_ =	shalt  }
0x84: {  	_ =	shalt  }
0x85: {  	_ =	shalt  }
0x86: {  	_ =	shalt  }
0x87: {  	_ =	shalt  }
.Lfunc_end0:
.L_simem_size_0:
called_computation_lowered:
.L_overlay_start_0:
0x88: {  	s2 =	sld [smem:$0x3FD9]  }
0x89: {  	s3 =	sld [smem:$0x3FFE];
	_ =	sdelay $0x1  }
0x8a: {  	s1 =	srdreg.scid  }
0x8b: {  	s0 =	sand.u32 $0x1, s1  }
0x8c: {  	s17 =	sshll.u32 s0, $0xA;
	s2 =	sadd.s32 s3, s2  }
0x8d: {  	s2 =	sadd.s32 s2, s17  }
0x8e: {  	[smem:$0x3FBE] =	sst s2  }
0x8f: {  	_ = 	snop  }
0x90: {  	s18 =	sld [smem:$0x3FC8];
	(tm) =	ssettm $0x1  }
0x91: {  	s19 =	sld [smem:$0x3FFB];
	_ =	sdelay $0x3  }
0x92: {  	_ =	strace s19  }
0x93: {  	s2 =	sld [smem:$0x3FFC];
	_ =	sdelay $0x3  }
0x94: {  	_ =	strace s2  }
0x95: {  	s2 =	sld [smem:$0x3FFD];
	_ =	sdelay $0x3  }
0x96: {  	_ =	strace s2  }
0x97: {  	_ =	strace $0x8FFFFFFF  }
0x98: {  	s20 =	sld [smem:$0x3FDB];
	_ =	sdelay $0x1  }
0x99: {  	s4 =	simm.s32 $_scs_section_size  }
0x9a: {  	s5 =	simm.s32 $_size__tile_overlayer_lowered;
	s6 =	simm.s32 $_tile_overlayer_lowered  }
0x9b: {  	s7 =	simm.s32 $0x1BFF;
	s21 =	sshll.u32 s6, $0x1;
	s4 =	sadd.s32 s4, s20  }
0x9c: {  	s22 =	simm.s32 $0x0;
	s5 =	sshll.u32 s5, $0x1;
	s6 =	sadd.s32 s21, s4  }
0x9d: {  	[timem:s22], [sflag:s7] =	dma.local [hbm:s6], s5  }
0x9e: {  	_ =	swait.ge [sflag:s7], s5  }
0x9f: {  	s5 =	ssub.s32 $0x0, s5;
	[sflag:s7] =	ssyncset.done $0x0  }
0xa0: {  	[sflag:s7] =	ssyncadd.s32 s5;
	_ =	sdelay $0x1  }
0xa1: {  	s23 =	simm.s32 $0x1B8B  }
0xa2: {  	_ =	swait.ge [sflag:s23], $0x1  }
0xa3: {  	[sflag:s23] =	ssyncset.done $0x0  }
0xa4: {  	[sflag:s23] =	ssyncadd.s32 $0xFFFFFFFF  }
0xa5: {  	s5 =	sld [smem:$0x0]  }
0xa6: {  	s6 =	sand.u32 $0xFFFFFFFE, s1  }
0xa7: {  	p0 =	sne.s32 s1, s6  }
0xa8: {  	s6 =	sshll.u32 @p0 s6, $0xE  }
0xa9: {  	s6 =	sadd.s32 @p0 $0x11B8D, s6;
	s7 =	sshll.u32 @p0 s5, $0x11  }
0xaa: {  	s6 =	sor.u32 @p0 s7, s6  }
0xab: {  	[sflag:s6] =	ssyncadd.remote.s32 @p0 $0x1;
	_ =	sdelay $0x1  }
0xac: {  	s6 =	simm.s32 @p0 $0x1B8D  }
0xad: {  	_ =	swait.eq @p0 [sflag:s6], $0x1  }
0xae: {  	[sflag:s6] =	ssyncadd.s32 @p0 $0xFFFFFFFF  }
0xaf: {  	s7 =	sshll.u32 @!p0 s1, $0xE  }
0xb0: {  	s7 =	sor.u32 @!p0 $0x4000, s7;
	s6 =	simm.s32 @!p0 $0x1B8D  }
0xb1: {  	s5 =	sshll.u32 @!p0 s5, $0x11;
	s7 =	sadd.s32 @!p0 $0x11B8D, s7;
	_ =	swait.eq @!p0 [sflag:s6], $0x1  }
0xb2: {  	s5 =	sor.u32 @!p0 s5, s7;
	[sflag:s6] =	ssyncadd.s32 @!p0 $0xFFFFFFFF  }
0xb3: {  	s25 =	simm.s32 $0x1B8E;
	s24 =	sld [smem:$0x3FFE];
	[sflag:s5] =	ssyncadd.remote.s32 @!p0 $0x1  }
0xb4: {  	s26 =	simm.s32 $execute0_lowered;
	[smem:$0x3FD2] =	sst s25  }
0xb5: {  	s6 =	sshll.u32 s26, $0x1;
	_ =	strace $0x80000049;
	[dreg:$0x1] =	wrdreg $0xFFFFFFFF  }
0xb6: {  	s28 =	simm.s32 $_size_execute0_lowered;
	s4 =	sadd.s32 s4, s6;
	[dreg:$0x0] =	wrdreg $0x0  }
0xb7: {  	s6 =	sshll.u32 s28, $0x1;
	[dreg:$0x2] =	wrdreg s4  }
0xb8: {  	[dreg:$0x3] =	wrdreg s6  }
0xb9: {  	[dreg:$0x4] =	wrdreg $0xC0  }
0xba: {  	_ =	task [dreg:s22], $0x5FFFF  }
0xbb: {  	[dreg:$0x1] =	wrdreg $0xFFFFFFFF  }
0xbc: {  	[dreg:$0x0] =	wrdreg $0x60  }
0xbd: {  	[dreg:$0x2] =	wrdreg s18  }
0xbe: {  	[dreg:$0x3] =	wrdreg s24  }
0xbf: {  	[dreg:$0x4] =	wrdreg $0x9  }
0xc0: {  	_ =	task.clear_ibuf [dreg:s22], $0x5FFFF;
	_ =	strace $0x90000049  }
0xc1: {  	s29 =	simm.s32 $0x9;
	_ =	strace $0x8000004B  }
0xc2: {  	_ =	swait.ge [sflag:s29], $0x1  }
0xc3: {  	[sflag:s29] =	ssyncadd.s32 $0xFFFFFFFF  }
0xc4: {  	_ =	strace $0x9000004B  }
0xc5: {  	_ =	sfence  }
0xc6: {  	s30 =	sld [smem:$0x0];
	_ =	sdelay $0x2  }
0xc7: {  	s31 =	sshll.u32 s1, $0xD;
	s1 =	sshrl.u32 s1, $0x2  }
0xc8: {  	s4 =	sand.u32 $0x4000, s31;
	s1 =	sadd.s32 s1, s30  }
0xc9: {  	s0 =	sor.u32 s4, s0;
	s1 =	sshll.u32 s1, $0x11  }
0xca: {  	s0 =	sor.u32 s1, s0  }
0xcb: {  	s0 =	sadd.s32 $0x8F2B, s0  }
0xcc: {  	[sflag:s0] =	ssyncadd.remote.s32 $0x1  }
0xcd: {  	_ =	sfence.sel $0xFFFF  }
0xce: {  	[dreg:$0x0] =	wrdreg $0xFFFFFFFF;
	(pc) =	sbr.abs _section_cstart, $3  }
0xcf: {  	[dreg:$0x1] =	wrdreg $0xFFFFFFFF  }
0xd0: {  	_ =	task.clear_ibuf [dreg:s22], $0x2FFFF;
	_ =	strace $0x9FFFFFFF  }
0xd1: {  	(tm) =	ssettm $0x7FFFFFFF  }
tec
execute0_lowered:
.L_overlay_start_1:
0x0: {  	(tag) =	ssettag $0x1  }
0x1: {  	s4 =	rddreg [dreg:$0x0]  }
0x2: {  	s5 =	rddreg [dreg:$0x1]  }
0x3: {  	s0 =	rddreg [dreg:$0x2]  }
0x4: {  	s3 =	srdreg.scid;
	s2 =	simm.s32 $0x0;
	s1 =	stileid.u32  }
0x5: {  	s9 =	simm.s32 $0x400;
	s10 =	simm.s32 $0x1;
	s11 =	simm.s32 $0x0  }
0x6: {  	s6 =	sand.u32 $0x1, s3;
	[smem:$0x7FF] =	sst s2;
	s30 =	sshll.u32 s1, $0xA  }
0x7: {  	s3 =	sadd.s32 $0x232C00, s5;
	s7 =	sshll.u32 s6, $0x9;
	s6 =	ssub.s32 $0x2, s6  }
0x8: {  	_ =	strace $0x8000004A;
	s7 =	sor.u32 s7, s30;
	s31 =	sshrl.u32 s6, $0x1  }
0x9: {  	s8 =	sshll.u32 s7, $0x4;
	s7 =	sshrl.u32 s7, $0x3;
	s6 =	ssub.s32 s6, s31  }
0xa: {  	s5 =	sadd.s32 s8, s5;
	s4 =	sadd.s32 s4, s7;
	s6 =	smax.u32 s6, $0x1  }
0xb: {  	v0 =	vimm.s32 $0x0;
	s7 =	simm.s32 $0x2;
	s8 =	simm.s32 $0x200;
	s5 =	sadd.s32 $0x26AC00, s5  }
.LBB2_1:
0xc: {  	[tilespmem:s2], [sflag:$0x2] =	stream.linear.gather [hbm4b:s4+s2], $0x200, $0x38;
	[tilespmem:$0x10400] =	vst v63  }
0xd: {  	_ =	swait.ge [sflag:s7], $0x200  }
0xe: {  	[sflag:s7] =	ssyncset.done $0x0  }
0xf: {  	s12 =	simm.s32 $0x0;
	[sflag:s7] =	ssyncadd.s32 $0xFFFFFE00  }
0x10: {  	v3 =	vld [tilespmem:s12+$0x0];
	_ =	sdelay $0x4  }
0x11: {  	vm0 =	vgt.s32 v3, $0x37FF;
	vm1 =	vgt.s32 v3, $0x6FFF  }
0x12: {  	s13 =	simm.s32 $0x10;
	v2 =	vsel vm0, $0x1, v0;
	v4 =	vsel vm1, $0x1, v0;
	vm0 =	vgt.s32 v3, $0xA7FF  }
0x13: {  	v1 =	vld [tilespmem:s13+$0x0];
	vm1 =	vgt.s32 v3, $0xDFFF;
	v2 =	vadd.s32 v4, v2;
	v4 =	vsel vm0, $0x1, v0  }
0x14: {  	vm0 =	vgt.s32 v3, $0x117FF;
	v2 =	vadd.s32 v4, v2;
	v4 =	vsel vm1, $0x1, v0  }
0x15: {  	v2 =	vadd.s32 v4, v2;
	v4 =	vsel vm0, $0x1, v0;
	vm0 =	vgt.s32 v3, $0x14FFF  }
0x16: {  	v2 =	vadd.s32 v4, v2;
	v4 =	vsel vm0, $0x1, v0;
	vm0 =	vgt.s32 v3, $0x187FF  }
0x17: {  	v2 =	vadd.s32 v4, v2;
	v4 =	vsel vm0, $0x1, v0  }
0x18: {  	vm2 =	vgt.s32 v1, $0x6FFF;
	v2 =	vadd.s32 v4, v2  }
0x19: {  	v5 =	vsel vm2, $0x1, v0;
	vm1 =	vgt.s32 v1, $0x37FF;
	v6 =	vmul.u32 $0xFFFFC800, v2  }
0x1a: {  	s14 =	simm.s32 $0x20;
	vm0 =	vgt.s32 v1, $0xDFFF;
	v4 =	vsel vm1, $0x1, v0;
	vm1 =	vgt.s32 v1, $0xA7FF  }
0x1b: {  	s15 =	simm.s32 $0xC0;
	v2 =	vld [tilespmem:s14+$0x0];
	v4 =	vadd.s32 v5, v4;
	v5 =	vsel vm1, $0x1, v0;
	v3 =	vadd.s32 v3, v6  }
.LBB2_2:
0x1c: {  	p0 =	sne.s32 s15, $0x7C0;
	v4 =	vadd.s32 v5, v4;
	v5 =	vsel vm0, $0x1, v0;
	vm0 =	vgt.s32 v1, $0x117FF;
	[tilespmem:s12+$0x200] =	vst v3;
	s12 =	smov.u32 s13;
	s13 =	smov.u32 s14  }
0x1d: {  	v3 =	vadd.s32 v5, v4;
	v4 =	vsel vm0, $0x1, v0;
	vm0 =	vgt.s32 v1, $0x14FFF  }
0x1e: {  	v3 =	vadd.s32 v4, v3;
	v4 =	vsel vm0, $0x1, v0;
	vm0 =	vgt.s32 v1, $0x187FF  }
.Ltmp0:
0x1f: {  	v3 =	vadd.s32 v4, v3;
	v4 =	vsel vm0, $0x1, v0;
	(pc) =	sbr.rel @p0 .LBB2_2-.Ltmp0, $4  }
0x20: {  	vm0 =	vgt.s32 v2, $0xDFFF;
	v3 =	vadd.s32 v4, v3  }
0x21: {  	vm1 =	vgt.s32 v2, $0x37FF;
	vm2 =	vgt.s32 v2, $0x6FFF;
	v3 =	vmul.u32 $0xFFFFC800, v3  }
0x22: {  	s14 =	sshra.s32 s15, $0x2;
	v4 =	vsel vm1, $0x1, v0;
	v5 =	vsel vm2, $0x1, v0;
	vm1 =	vgt.s32 v2, $0xA7FF  }
0x23: {  	s15 =	sadd.s32 $0x40, s15;
	v4 =	vadd.s32 v5, v4;
	v5 =	vsel vm1, $0x1, v0;
	v3 =	vadd.s32 v1, v3;
	v1 =	vmovc v2;
	v2 =	vld [tilespmem:s14+$0x0]  }
0x24: {  	v4 =	vadd.s32 v5, v4  }
0x25: {  	v54 =	vsel vm0, $0x1, v0;
	vm7 =	vgt.s32 v1, $0x117FF;
	vm8 =	vgt.s32 v1, $0x14FFF  }
0x26: {  	vm9 =	vgt.s32 v1, $0x187FF;
	v4 =	vadd.s32 v54, v4;
	v55 =	vsel vm7, $0x1, v0  }
0x27: {  	v56 =	vsel vm8, $0x1, v0;
	v57 =	vsel vm9, $0x1, v0;
	v4 =	vadd.s32 v55, v4  }
0x28: {  	v4 =	vadd.s32 v56, v4;
	vm10 =	vgt.s32 v2, $0x37FF;
	vm1 =	vgt.s32 v2, $0x6FFF  }
0x29: {  	vm11 =	vgt.s32 v2, $0xA7FF;
	v6 =	vsel vm10, $0x1, v0;
	v7 =	vsel vm1, $0x1, v0  }
0x2a: {  	vm12 =	vgt.s32 v2, $0xDFFF;
	v58 =	vsel vm11, $0x1, v0;
	v6 =	vadd.s32 v7, v6  }
0x2b: {  	vm13 =	vgt.s32 v2, $0x117FF;
	v59 =	vsel vm12, $0x1, v0;
	v6 =	vadd.s32 v58, v6  }
0x2c: {  	vm14 =	vgt.s32 v2, $0x14FFF;
	v60 =	vsel vm13, $0x1, v0;
	v6 =	vadd.s32 v59, v6  }
0x2d: {  	vm15 =	vgt.s32 v2, $0x187FF;
	v61 =	vsel vm14, $0x1, v0;
	v6 =	vadd.s32 v60, v6  }
0x2e: {  	v4 =	vadd.s32 v57, v4;
	v63 =	vsel vm15, $0x1, v0;
	v62 =	vadd.s32 v61, v6  }
0x2f: {  	v4 =	vmul.u32 $0xFFFFC800, v4;
	v5 =	vadd.s32 v63, v62  }
0x30: {  	v5 =	vmul.u32 $0xFFFFC800, v5  }
0x31: {  	[tilespmem:s12+$0x200] =	vst v3;
	v1 =	vadd.s32 v1, v4  }
0x32: {  	[tilespmem:s13+$0x200] =	vst v1;
	v1 =	vadd.s32 v2, v5  }
0x33: {  	[tilespmem:s14+$0x200] =	vst v1  }
0x34: {  	[tilespmem:s9], [sflag:$0x1] =	stream.indirect.gather [hbm4b:s3+s8], $0x80, s8, s8, $0xb8;
	[tilespmem:$0x10400] =	vst v63  }
0x35: {  	s11 =	sadd.s32 $0x1, s11;
	_ =	swait.ge [sflag:s10], $0x10000  }
0x36: {  	p0 =	sne.s32 s11, s6;
	[sflag:s10] =	ssyncset.done $0x0  }
.Ltmp1:
0x37: {  	[sflag:s10] =	ssyncadd.s32 $0xFFFF0000;
	(pc) =	sbr.rel @p0 .LBB2_1-.Ltmp1, $4  }
0x38: {  	[hbm4b:s5+s2] =	stream.linear.scatter [tilespmem:s9], [sflag:$0x2], $0x10000, $0x38;
	[tilespmem:$0x10400] =	vst v63  }
0x39: {  	_ =	swait.ge [sflag:s7], $0x10000  }
0x3a: {  	[sflag:s7] =	ssyncset.done $0x0  }
0x3b: {  	[sflag:s7] =	ssyncadd.s32 $0xFFFF0000  }
0x3c: {  	_ =	sfence.sel $0x180000  }
0x3d: {  	[bflag:$0x0] =	sbarrier.arrive $0xFFFF  }
0x3e: {  	p0 =	sne.s32 s1, $0x0;
	_ =	strace $0x9000004A  }
0x3f: {  	s0 =	sadd.s32 @!p0 $0x100000, s0;
	[bflag:$0x2] =	sbarrier.arrive $0xFFFF  }
0x40: {  	[sflag:s0] =	ssyncadd.tile.s32 @!p0 $0x1;
	_ =	shalt  }
.Lfunc_end2:
_tile_overlayer_lowered:
.L_overlay_start_2:
0x41: {  	(tag) =	ssettag $0x2  }
0x42: {  	s0 =	rddreg [dreg:$0x0];
	s2 =	stileid.u32  }
0x43: {  	s1 =	rddreg [dreg:$0x1];
	p0 =	sne.s32 s2, $0x0  }
0x44: {  	s3 =	rddreg [dreg:$0x2];
	[bflag:$0x3] =	sbarrier.arrive $0xFFFF;
	s2 =	simm.s32 @!p0 $0x1C02  }
0x45: {  	[timem:s3], [sflag:s2] =	dma.local @!p0 [hbm:s0], s1  }
0x46: {  	s0 =	simm.s32 @!p0 $0x2  }
0x47: {  	_ =	swait.ge @!p0 [sflag:s0], s1  }
0x48: {  	s1 =	ssub.s32 @!p0 $0x0, s1;
	[sflag:s0] =	ssyncset.done @!p0 $0x0  }
0x49: {  	[sflag:s0] =	ssyncadd.s32 @!p0 s1  }
0x4a: {  	[bflag:$0x3] =	sbarrier.arrive $0xFFFF  }
0x4b: {  	_ =	shalt  }

</sc_bundles>
